<compile_context>
chip_gen: v7x
topology: tpu7x:2x2x1
jax: 0.10.2.dev20260603
libtpu: 0.0.44.dev20260713+nightly
codegen_flags: <defaults>
</compile_context>

<pallas_src>
import functools

import jax
import jax.numpy as jnp
from jax import lax
from jax.experimental import pallas as pl
from jax.experimental.pallas import tpu as pltpu
from jax.experimental.pallas import tpu_sc as plsc

_NUM_EMB = 1000000
_D = 64
_B, _S, _P = 1024, 50, 4
_K = _S * _P
_TOTAL = _B * _K
_NW = 32
_BPW = _B // _NW
_C0, _C1 = 128, 72
_BB = 16


def _sc_gather_body(flat_hbm, table_hbm, out_hbm, emb0_hbm,
                    idxf_v, a0, a1, b0, b1, zidx_v, e0_v,
                    sa0, sa1, sb0, sb1):
    wid = lax.axis_index("s") * 2 + lax.axis_index("c")
    bbase = wid * _BPW
    pltpu.sync_copy(flat_hbm.at[pl.ds(bbase, _BPW)], idxf_v)

    def _g(b, off, n, rows, sem):
        return pltpu.make_async_copy(
            table_hbm.at[idxf_v.at[b, pl.ds(off, n)]], rows, sem)

    def _w(b, off, n, rows):
        pltpu.sync_copy(
            rows, out_hbm.at[pl.ds((bbase + b) * _K + off, n), pl.ds(0, _D)])

    @pl.when(wid == 0)
    def _():
        zidx_v[...] = jnp.zeros((16,), jnp.int32)
        pltpu.async_copy(table_hbm.at[zidx_v], e0_v, sa0).wait()
        pltpu.sync_copy(e0_v, emb0_hbm.at[:, pl.ds(0, _D)])

    _g(0, 0, _C0, a0, sa0).start()
    _g(0, _C0, _C1, a1, sa1).start()

    def body(t, carry):
        e = 2 * t
        o = e + 1
        _g(o, 0, _C0, b0, sb0).start()
        _g(o, _C0, _C1, b1, sb1).start()
        _g(e, 0, _C0, a0, sa0).wait()
        _w(e, 0, _C0, a0)
        _g(e, _C0, _C1, a1, sa1).wait()
        _w(e, _C0, _C1, a1)

        @pl.when(t < _BPW // 2 - 1)
        def _():
            _g(e + 2, 0, _C0, a0, sa0).start()
            _g(e + 2, _C0, _C1, a1, sa1).start()

        _g(o, 0, _C0, b0, sb0).wait()
        _w(o, 0, _C0, b0)
        _g(o, _C0, _C1, b1, sb1).wait()
        _w(o, _C0, _C1, b1)
        return carry

    lax.fori_loop(0, _BPW // 2, body, 0)


@functools.cache
def _sc_gather():
    return pl.kernel(
        _sc_gather_body,
        mesh=plsc.VectorSubcoreMesh(core_axis_name="c", subcore_axis_name="s"),
        out_type=(
            jax.ShapeDtypeStruct((_TOTAL, 128), jnp.float32),
            jax.ShapeDtypeStruct((16, 128), jnp.float32),
        ),
        scratch_types=[
            pltpu.VMEM((_BPW, _K), jnp.int32),
            pltpu.VMEM((_C0, _D), jnp.float32),
            pltpu.VMEM((_C1, _D), jnp.float32),
            pltpu.VMEM((_C0, _D), jnp.float32),
            pltpu.VMEM((_C1, _D), jnp.float32),
            pltpu.VMEM((16,), jnp.int32),
            pltpu.VMEM((16, _D), jnp.float32),
            pltpu.SemaphoreType.DMA,
            pltpu.SemaphoreType.DMA,
            pltpu.SemaphoreType.DMA,
            pltpu.SemaphoreType.DMA,
        ],
        compiler_params=pltpu.CompilerParams(use_tc_tiling_on_sc=False),
    )


def _tc_body(hid_ref, cand_ref, ids_ref, emb0_ref, out_ref):
    e0 = emb0_ref[0:1, 0:_D]
    row = lax.broadcasted_iota(jnp.int32, (_S, _K), 0)
    col = lax.broadcasted_iota(jnp.int32, (_S, _K), 1)
    bigmask = ((col >> 2) == row).astype(jnp.float32)
    jq = lax.broadcasted_iota(jnp.int32, (_K, _P), 0)
    pq = lax.broadcasted_iota(jnp.int32, (_K, _P), 1)
    emat = ((jq & 3) == pq).astype(jnp.float32)
    kr = lax.broadcasted_iota(jnp.int32, (_K, _K), 0)
    kc = lax.broadcasted_iota(jnp.int32, (_K, _K), 1)
    identf = (kr == kc).astype(jnp.float32)
    for i in range(_BB):
        h = hid_ref[i]
        ce = cand_ref[i * _K : (i + 1) * _K, 0:_D]
        ids_i = ids_ref[i : i + 1]
        cols = []
        for c in ((ids_i & 127), ((ids_i >> 7) & 127), (ids_i >> 14)):
            cols.append(lax.dot_general(
                identf, c.astype(jnp.float32), (((1,), (1,)), ((), ())),
                preferred_element_type=jnp.float32,
            ))
        ids_col = cols[0] + 128.0 * cols[1] + 16384.0 * cols[2]
        ids_row = ids_i.astype(jnp.float32)
        eqf = (ids_col == ids_row).astype(jnp.float32)
        cnt = jnp.sum(eqf, axis=0, keepdims=True)
        r = 1.0 / cnt
        padc = _K - jnp.sum(r)
        logits = lax.dot_general(
            h, ce, (((1,), (1,)), ((), ())), preferred_element_type=jnp.float32
        )
        l0 = jnp.sum(h * e0, axis=1, keepdims=True)
        m = jnp.maximum(jnp.max(logits, axis=1, keepdims=True), l0)
        esum = jnp.sum(jnp.exp(logits - m) * r, axis=1, keepdims=True)
        denom = esum + padc * jnp.exp(l0 - m)
        lse = m + jnp.log(denom)
        tsel = lax.dot_general(
            logits * bigmask, emat, (((1,), (0,)), ((), ())),
            preferred_element_type=jnp.float32,
        )
        out_ref[i] = tsel - lse


def _tc_compute(hidden, cand, flat, emb0, interpret=False):
    return pl.pallas_call(
        _tc_body,
        grid=(_B // _BB,),
        in_specs=[
            pl.BlockSpec((_BB, _S, _D), lambda i: (i, 0, 0)),
            pl.BlockSpec((_BB * _K, cand.shape[1]), lambda i: (i, 0)),
            pl.BlockSpec((_BB, _K), lambda i: (i, 0)),
            pl.BlockSpec((16, 128), lambda i: (0, 0)),
        ],
        out_specs=pl.BlockSpec((_BB, _S, _P), lambda i: (i, 0, 0)),
        out_shape=jax.ShapeDtypeStruct((_B, _S, _P), jnp.float32),
        compiler_params=pltpu.CompilerParams(
            dimension_semantics=("parallel",),
        ),
        interpret=interpret,
    )(hidden, cand, flat, emb0)


def kernel(hidden, parent_ids, embedding_table):
    flat = parent_ids.reshape(_B, _K).astype(jnp.int32)
    cand, emb0 = _sc_gather()(flat, embedding_table)
    return _tc_compute(hidden, cand, flat, emb0)

# --- scband reference (transcript-rebuilt; emitter-appended) ---
"""Pipeline reference for scband-recent-entities-7541962572411 (READ-ONLY COPY).

The authoritative reference and input builder live on the scoring server;
editing this copy changes nothing except your own understanding.
"""

import jax, jax.numpy as jnp
import numpy as np

NUM_EMB = 1000000
EMB_DIM = 64
B, S, P = 1024, 50, 4
K = S * P  # max_num_parents after per-batch unique+pad


def setup_inputs(seed: int = 0) -> dict:
    key = jax.random.key(seed)
    k1, k2, k3 = jax.random.split(key, 3)
    hidden = jax.random.normal(k1, (B, S, EMB_DIM), dtype=jnp.float32)
    parent_ids = jax.random.randint(k2, (B, S, P), 0, NUM_EMB, dtype=jnp.int32).astype(jnp.int64)
    embedding_table = jax.random.normal(k3, (NUM_EMB, EMB_DIM), dtype=jnp.float32) * 0.02
    return {"hidden": hidden, "parent_ids": parent_ids, "embedding_table": embedding_table}


def _get_candidates(parent_ids):
    # Faithful to RecentEntities._get_candidates with empty _previous_ids (fresh state
    # after reset): per-batch unique of parent ids, zero-padded to max_num_parents.
    flat = parent_ids.reshape(parent_ids.shape[0], -1)  # [B, S*P]
    s = jnp.sort(flat, axis=-1)
    first = jnp.concatenate(
        [jnp.ones((s.shape[0], 1), dtype=bool), s[:, 1:] != s[:, :-1]], axis=1
    )
    sentinel = NUM_EMB  # larger than any valid id
    vals = jnp.where(first, s, sentinel)
    vals = jnp.sort(vals, axis=-1)  # unique ids ascending, sentinels at the end
    candidates = jnp.where(vals == sentinel, 0, vals)  # zero-pad like new_zeros
    return candidates  # [B, K]


def reference(hidden, parent_ids, embedding_table):
    # Candidate set (unique recent + current entities per batch element)
    candidates = _get_candidates(parent_ids)  # [B, K] int
    # Embedding lookup of candidate entities (SparseCore gather)
    cand_emb = jnp.take(embedding_table, candidates, axis=0)  # [B, K, D]
    # Log-probability of selecting each candidate given the hidden state
    logits = jnp.einsum('bsd,bkd->bsk', hidden, cand_emb)  # [B, S, K]
    log_probs = jax.nn.log_softmax(logits, axis=-1)
    # Locate each target parent id inside the (sorted-prefix) candidate list.
    match = candidates[:, None, None, :] == parent_ids[..., None]  # [B, S, P, K]
    pos = jnp.argmax(match, axis=-1)  # [B, S, P] (first match = true unique entry)
    target_log_probs = jnp.take_along_axis(log_probs, pos, axis=-1)  # [B, S, P]
    return target_log_probs

if __name__ == "__main__":
    import jax
    _d = setup_inputs()
    print(jax.jit(kernel)(*tuple(_d.values())))

</pallas_src>

<mosaic_0001>
#map = affine_map<(d0, d1) -> (0, 0)>
module attributes {stable_mosaic.version = 14 : i64} {
  func.func @_sc_gather_body(%arg0: i32, %arg1: i32, %arg2: memref<1024x200xi32, #tpu.memory_space<hbm>>, %arg3: memref<1000000x64xf32, #tpu.memory_space<hbm>>, %arg4: memref<204800x128xf32, #tpu.memory_space<hbm>>, %arg5: memref<16x128xf32, #tpu.memory_space<hbm>>, %arg6: memref<32x200xi32, #tpu.memory_space<vmem>>, %arg7: memref<128x64xf32, #tpu.memory_space<vmem>>, %arg8: memref<72x64xf32, #tpu.memory_space<vmem>>, %arg9: memref<128x64xf32, #tpu.memory_space<vmem>>, %arg10: memref<72x64xf32, #tpu.memory_space<vmem>>, %arg11: memref<16xi32, #tpu.memory_space<vmem>>, %arg12: memref<16x64xf32, #tpu.memory_space<vmem>>, %arg13: memref<!tpu.dma_semaphore, #tpu.memory_space<semaphore_mem>>, %arg14: memref<!tpu.dma_semaphore, #tpu.memory_space<semaphore_mem>>, %arg15: memref<!tpu.dma_semaphore, #tpu.memory_space<semaphore_mem>>, %arg16: memref<!tpu.dma_semaphore, #tpu.memory_space<semaphore_mem>>) attributes {dimension_semantics = [#tpu.dimension_semantics<core_parallel>, #tpu.dimension_semantics<subcore_parallel>], iteration_bounds = array<i64: 2, 16>, scalar_prefetch = 0 : i64, scratch_operands = 11 : i64, tpu.core_type = #tpu.core_type<sc_vector_subcore>, window_params = [{transform_indices = #map}, {transform_indices = #map}, {transform_indices = #map}, {transform_indices = #map}]} {
    %mul3A = arith.constant 2 : i32
    %mul3A_0 = arith.muli %arg1, %mul3A : i32
    %add3A = arith.addi %mul3A_0, %arg0 : i32
    %mul3A_1 = arith.constant 32 : i32
    %mul3A_2 = arith.muli %add3A, %mul3A_1 : i32
    "tpu.region"() ({
      %run_scoped3A = tpu.sem_alloc : memref<!tpu.dma_semaphore, #tpu.memory_space<semaphore_mem>>
      %dma_start3A_23 = arith.constant 0 : i32
      %dma_start3A_24 = tpu.memref_slice %arg2[%mul3A_2, %dma_start3A_23] : memref<1024x200xi32, #tpu.memory_space<hbm>> -> memref<32x200xi32, #tpu.memory_space<hbm>>
      %dma_start3A_25 = arith.constant 0 : i32
      %dma_start3A_26 = tpu.memref_slice %arg2[%mul3A_2, %dma_start3A_25] : memref<1024x200xi32, #tpu.memory_space<hbm>> -> memref<32x200xi32, #tpu.memory_space<hbm>>
      tpu.enqueue_dma source(%dma_start3A_26 : memref<32x200xi32, #tpu.memory_space<hbm>>) target(%arg6 : memref<32x200xi32, #tpu.memory_space<vmem>>) target_semaphore(%run_scoped3A : memref<!tpu.dma_semaphore, #tpu.memory_space<semaphore_mem>>)
      %dma_wait3A = arith.constant 0 : i32
      %dma_wait3A_27 = tpu.memref_slice %arg2[%mul3A_2, %dma_wait3A] : memref<1024x200xi32, #tpu.memory_space<hbm>> -> memref<32x200xi32, #tpu.memory_space<hbm>>
      %dma_wait3A_28 = arith.constant 0 : i32
      %dma_wait3A_29 = tpu.memref_slice %arg2[%mul3A_2, %dma_wait3A_28] : memref<1024x200xi32, #tpu.memory_space<hbm>> -> memref<32x200xi32, #tpu.memory_space<hbm>>
      tpu.wait_dma2 semaphore(%run_scoped3A : memref<!tpu.dma_semaphore, #tpu.memory_space<semaphore_mem>>) src(%dma_wait3A_29 : memref<32x200xi32, #tpu.memory_space<hbm>>) dst(%arg6 : memref<32x200xi32, #tpu.memory_space<vmem>>)
      tpu.yield
    }) : () -> ()
    %eq3A = arith.constant 0 : i32
    %eq3A_3 = arith.cmpi eq, %add3A, %eq3A : i32
    %convert_element_type3A = arith.extui %eq3A_3 : i1 to i32
    %cond3A = arith.constant 0 : i32
    %cond3A_4 = arith.cmpi ne, %convert_element_type3A, %cond3A : i32
    scf.if %cond3A_4 {
      %broadcast_in_dim3A = arith.constant 0 : i32
      %broadcast_in_dim3A_23 = vector.broadcast %broadcast_in_dim3A : i32 to vector<16xi32>
      %swap3A = arith.constant 0 : index
      %swap3A_24 = tpu.vector_load %arg11[%swap3A] {strides = array<i32>} : memref<16xi32, #tpu.memory_space<vmem>>, vector<16xi32>,
      %swap3A_25 = vector.shape_cast %swap3A_24 : vector<16xi32> to vector<16xi32>
      %swap3A_26 = vector.shape_cast %broadcast_in_dim3A_23 : vector<16xi32> to vector<16xi32>
      tpu.vector_store %arg11[%swap3A], %swap3A_26 {strides = array<i32>} : memref<16xi32, #tpu.memory_space<vmem>>, vector<16xi32>,
      %dma_start3A_27 = arith.constant 0 : i32
      %dma_start3A_28 = arith.constant 0 : i32
      %dma_start3A_29 = tpu.memref_slice %arg3[%dma_start3A_27, %dma_start3A_28] : memref<1000000x64xf32, #tpu.memory_space<hbm>> -> memref<1000000x64xf32, #tpu.memory_space<hbm>>
      tpu.enqueue_indirect_dma source(%dma_start3A_29 : memref<1000000x64xf32, #tpu.memory_space<hbm>>) target(%arg12 : memref<16x64xf32, #tpu.memory_space<vmem>>) offsets(%arg11 : memref<16xi32, #tpu.memory_space<vmem>>) semaphore(%arg13 : memref<!tpu.dma_semaphore, #tpu.memory_space<semaphore_mem>>)
      %dma_wait3A = arith.constant 0 : i32
      %dma_wait3A_30 = arith.constant 0 : i32
      %dma_wait3A_31 = tpu.memref_slice %arg3[%dma_wait3A, %dma_wait3A_30] : memref<1000000x64xf32, #tpu.memory_space<hbm>> -> memref<1000000x64xf32, #tpu.memory_space<hbm>>
      tpu.wait_indirect_dma semaphore(%arg13 : memref<!tpu.dma_semaphore, #tpu.memory_space<semaphore_mem>>) src(%dma_wait3A_31 : memref<1000000x64xf32, #tpu.memory_space<hbm>>) dst(%arg12 : memref<16x64xf32, #tpu.memory_space<vmem>>)
      "tpu.region"() ({
        %run_scoped3A = tpu.sem_alloc : memref<!tpu.dma_semaphore, #tpu.memory_space<semaphore_mem>>
        %dma_start3A_32 = arith.constant 0 : i32
        %dma_start3A_33 = arith.constant 0 : i32
        %dma_start3A_34 = tpu.memref_slice %arg5[%dma_start3A_32, %dma_start3A_33] : memref<16x128xf32, #tpu.memory_space<hbm>> -> memref<16x64xf32, #tpu.memory_space<hbm>>
        %dma_start3A_35 = arith.constant 0 : i32
        %dma_start3A_36 = arith.constant 0 : i32
        %dma_start3A_37 = tpu.memref_slice %arg5[%dma_start3A_35, %dma_start3A_36] : memref<16x128xf32, #tpu.memory_space<hbm>> -> memref<16x64xf32, #tpu.memory_space<hbm>>
        tpu.enqueue_dma source(%arg12 : memref<16x64xf32, #tpu.memory_space<vmem>>) target(%dma_start3A_37 : memref<16x64xf32, #tpu.memory_space<hbm>>) target_semaphore(%run_scoped3A : memref<!tpu.dma_semaphore, #tpu.memory_space<semaphore_mem>>)
        %dma_wait3A_38 = arith.constant 0 : i32
        %dma_wait3A_39 = arith.constant 0 : i32
        %dma_wait3A_40 = tpu.memref_slice %arg5[%dma_wait3A_38, %dma_wait3A_39] : memref<16x128xf32, #tpu.memory_space<hbm>> -> memref<16x64xf32, #tpu.memory_space<hbm>>
        %dma_wait3A_41 = arith.constant 0 : i32
        %dma_wait3A_42 = arith.constant 0 : i32
        %dma_wait3A_43 = tpu.memref_slice %arg5[%dma_wait3A_41, %dma_wait3A_42] : memref<16x128xf32, #tpu.memory_space<hbm>> -> memref<16x64xf32, #tpu.memory_space<hbm>>
        tpu.wait_dma2 semaphore(%run_scoped3A : memref<!tpu.dma_semaphore, #tpu.memory_space<semaphore_mem>>) src(%arg12 : memref<16x64xf32, #tpu.memory_space<vmem>>) dst(%dma_wait3A_43 : memref<16x64xf32, #tpu.memory_space<hbm>>)
        tpu.yield
      }) : () -> ()
    } else {
    }
    %dma_start3A = arith.constant 0 : i32
    %dma_start3A_5 = arith.constant 0 : i32
    %dma_start3A_6 = tpu.memref_slice %arg6[%dma_start3A, %dma_start3A_5] : memref<32x200xi32, #tpu.memory_space<vmem>> -> memref<1x128xi32, #tpu.memory_space<vmem>>
    %dma_start3A_7 = tpu.memref_squeeze %dma_start3A_6 : memref<1x128xi32, #tpu.memory_space<vmem>> -> memref<128xi32, #tpu.memory_space<vmem>>
    %dma_start3A_8 = arith.constant 0 : i32
    %dma_start3A_9 = arith.constant 0 : i32
    %dma_start3A_10 = tpu.memref_slice %arg3[%dma_start3A_8, %dma_start3A_9] : memref<1000000x64xf32, #tpu.memory_space<hbm>> -> memref<1000000x64xf32, #tpu.memory_space<hbm>>
    tpu.enqueue_indirect_dma source(%dma_start3A_10 : memref<1000000x64xf32, #tpu.memory_space<hbm>>) target(%arg7 : memref<128x64xf32, #tpu.memory_space<vmem>>) offsets(%dma_start3A_7 : memref<128xi32, #tpu.memory_space<vmem>>) semaphore(%arg13 : memref<!tpu.dma_semaphore, #tpu.memory_space<semaphore_mem>>)
    %dma_start3A_11 = arith.constant 0 : i32
    %dma_start3A_12 = arith.constant 128 : i32
    %dma_start3A_13 = tpu.memref_slice %arg6[%dma_start3A_11, %dma_start3A_12] : memref<32x200xi32, #tpu.memory_space<vmem>> -> memref<1x72xi32, #tpu.memory_space<vmem>>
    %dma_start3A_14 = tpu.memref_squeeze %dma_start3A_13 : memref<1x72xi32, #tpu.memory_space<vmem>> -> memref<72xi32, #tpu.memory_space<vmem>>
    %dma_start3A_15 = arith.constant 0 : i32
    %dma_start3A_16 = arith.constant 0 : i32
    %dma_start3A_17 = tpu.memref_slice %arg3[%dma_start3A_15, %dma_start3A_16] : memref<1000000x64xf32, #tpu.memory_space<hbm>> -> memref<1000000x64xf32, #tpu.memory_space<hbm>>
    tpu.enqueue_indirect_dma source(%dma_start3A_17 : memref<1000000x64xf32, #tpu.memory_space<hbm>>) target(%arg8 : memref<72x64xf32, #tpu.memory_space<vmem>>) offsets(%dma_start3A_14 : memref<72xi32, #tpu.memory_space<vmem>>) semaphore(%arg14 : memref<!tpu.dma_semaphore, #tpu.memory_space<semaphore_mem>>)
    %scan3A = arith.constant 0 : i32
    %scan3A_18 = arith.constant 0 : i32
    %scan3A_19 = arith.constant 16 : i32
    %scan3A_20 = arith.addi %scan3A_18, %scan3A_19 : i32
    %scan3A_21 = arith.constant 1 : i32
    scf.for %scan3A_23 = %scan3A_18 to %scan3A_20 step %scan3A_21  : i32 {
      %mul3A_24 = arith.constant 2 : i32
      %mul3A_25 = arith.muli %mul3A_24, %scan3A_23 : i32
      %add3A_26 = arith.constant 1 : i32
      %add3A_27 = arith.addi %mul3A_25, %add3A_26 : i32
      %dma_start3A_28 = arith.constant 0 : i32
      %dma_start3A_29 = tpu.memref_slice %arg6[%add3A_27, %dma_start3A_28] : memref<32x200xi32, #tpu.memory_space<vmem>> -> memref<1x128xi32, #tpu.memory_space<vmem>>
      %dma_start3A_30 = tpu.memref_squeeze %dma_start3A_29 : memref<1x128xi32, #tpu.memory_space<vmem>> -> memref<128xi32, #tpu.memory_space<vmem>>
      %dma_start3A_31 = arith.constant 0 : i32
      %dma_start3A_32 = arith.constant 0 : i32
      %dma_start3A_33 = tpu.memref_slice %arg3[%dma_start3A_31, %dma_start3A_32] : memref<1000000x64xf32, #tpu.memory_space<hbm>> -> memref<1000000x64xf32, #tpu.memory_space<hbm>>
      tpu.enqueue_indirect_dma source(%dma_start3A_33 : memref<1000000x64xf32, #tpu.memory_space<hbm>>) target(%arg9 : memref<128x64xf32, #tpu.memory_space<vmem>>) offsets(%dma_start3A_30 : memref<128xi32, #tpu.memory_space<vmem>>) semaphore(%arg15 : memref<!tpu.dma_semaphore, #tpu.memory_space<semaphore_mem>>)
      %dma_start3A_34 = arith.constant 128 : i32
      %dma_start3A_35 = tpu.memref_slice %arg6[%add3A_27, %dma_start3A_34] : memref<32x200xi32, #tpu.memory_space<vmem>> -> memref<1x72xi32, #tpu.memory_space<vmem>>
      %dma_start3A_36 = tpu.memref_squeeze %dma_start3A_35 : memref<1x72xi32, #tpu.memory_space<vmem>> -> memref<72xi32, #tpu.memory_space<vmem>>
      %dma_start3A_37 = arith.constant 0 : i32
      %dma_start3A_38 = arith.constant 0 : i32
      %dma_start3A_39 = tpu.memref_slice %arg3[%dma_start3A_37, %dma_start3A_38] : memref<1000000x64xf32, #tpu.memory_space<hbm>> -> memref<1000000x64xf32, #tpu.memory_space<hbm>>
      tpu.enqueue_indirect_dma source(%dma_start3A_39 : memref<1000000x64xf32, #tpu.memory_space<hbm>>) target(%arg10 : memref<72x64xf32, #tpu.memory_space<vmem>>) offsets(%dma_start3A_36 : memref<72xi32, #tpu.memory_space<vmem>>) semaphore(%arg16 : memref<!tpu.dma_semaphore, #tpu.memory_space<semaphore_mem>>)
      %dma_wait3A = arith.constant 0 : i32
      %dma_wait3A_40 = tpu.memref_slice %arg6[%mul3A_25, %dma_wait3A] : memref<32x200xi32, #tpu.memory_space<vmem>> -> memref<1x128xi32, #tpu.memory_space<vmem>>
      %dma_wait3A_41 = tpu.memref_squeeze %dma_wait3A_40 : memref<1x128xi32, #tpu.memory_space<vmem>> -> memref<128xi32, #tpu.memory_space<vmem>>
      %dma_wait3A_42 = arith.constant 0 : i32
      %dma_wait3A_43 = arith.constant 0 : i32
      %dma_wait3A_44 = tpu.memref_slice %arg3[%dma_wait3A_42, %dma_wait3A_43] : memref<1000000x64xf32, #tpu.memory_space<hbm>> -> memref<1000000x64xf32, #tpu.memory_space<hbm>>
      tpu.wait_indirect_dma semaphore(%arg13 : memref<!tpu.dma_semaphore, #tpu.memory_space<semaphore_mem>>) src(%dma_wait3A_44 : memref<1000000x64xf32, #tpu.memory_space<hbm>>) dst(%arg7 : memref<128x64xf32, #tpu.memory_space<vmem>>)
      %add3A_45 = arith.addi %mul3A_2, %mul3A_25 : i32
      %mul3A_46 = arith.constant 200 : i32
      %mul3A_47 = arith.muli %add3A_45, %mul3A_46 : i32
      %add3A_48 = arith.constant 0 : i32
      %add3A_49 = arith.addi %mul3A_47, %add3A_48 : i32
      "tpu.region"() ({
        %run_scoped3A = tpu.sem_alloc : memref<!tpu.dma_semaphore, #tpu.memory_space<semaphore_mem>>
        %dma_start3A_87 = arith.constant 0 : i32
        %dma_start3A_88 = tpu.memref_slice %arg4[%add3A_49, %dma_start3A_87] : memref<204800x128xf32, #tpu.memory_space<hbm>> -> memref<128x64xf32, #tpu.memory_space<hbm>>
        %dma_start3A_89 = arith.constant 0 : i32
        %dma_start3A_90 = tpu.memref_slice %arg4[%add3A_49, %dma_start3A_89] : memref<204800x128xf32, #tpu.memory_space<hbm>> -> memref<128x64xf32, #tpu.memory_space<hbm>>
        tpu.enqueue_dma source(%arg7 : memref<128x64xf32, #tpu.memory_space<vmem>>) target(%dma_start3A_90 : memref<128x64xf32, #tpu.memory_space<hbm>>) target_semaphore(%run_scoped3A : memref<!tpu.dma_semaphore, #tpu.memory_space<semaphore_mem>>)
        %dma_wait3A_91 = arith.constant 0 : i32
        %dma_wait3A_92 = tpu.memref_slice %arg4[%add3A_49, %dma_wait3A_91] : memref<204800x128xf32, #tpu.memory_space<hbm>> -> memref<128x64xf32, #tpu.memory_space<hbm>>
        %dma_wait3A_93 = arith.constant 0 : i32
        %dma_wait3A_94 = tpu.memref_slice %arg4[%add3A_49, %dma_wait3A_93] : memref<204800x128xf32, #tpu.memory_space<hbm>> -> memref<128x64xf32, #tpu.memory_space<hbm>>
        tpu.wait_dma2 semaphore(%run_scoped3A : memref<!tpu.dma_semaphore, #tpu.memory_space<semaphore_mem>>) src(%arg7 : memref<128x64xf32, #tpu.memory_space<vmem>>) dst(%dma_wait3A_94 : memref<128x64xf32, #tpu.memory_space<hbm>>)
        tpu.yield
      }) : () -> ()
      %dma_wait3A_50 = arith.constant 128 : i32
      %dma_wait3A_51 = tpu.memref_slice %arg6[%mul3A_25, %dma_wait3A_50] : memref<32x200xi32, #tpu.memory_space<vmem>> -> memref<1x72xi32, #tpu.memory_space<vmem>>
      %dma_wait3A_52 = tpu.memref_squeeze %dma_wait3A_51 : memref<1x72xi32, #tpu.memory_space<vmem>> -> memref<72xi32, #tpu.memory_space<vmem>>
      %dma_wait3A_53 = arith.constant 0 : i32
      %dma_wait3A_54 = arith.constant 0 : i32
      %dma_wait3A_55 = tpu.memref_slice %arg3[%dma_wait3A_53, %dma_wait3A_54] : memref<1000000x64xf32, #tpu.memory_space<hbm>> -> memref<1000000x64xf32, #tpu.memory_space<hbm>>
      tpu.wait_indirect_dma semaphore(%arg14 : memref<!tpu.dma_semaphore, #tpu.memory_space<semaphore_mem>>) src(%dma_wait3A_55 : memref<1000000x64xf32, #tpu.memory_space<hbm>>) dst(%arg8 : memref<72x64xf32, #tpu.memory_space<vmem>>)
      %add3A_56 = arith.addi %mul3A_2, %mul3A_25 : i32
      %mul3A_57 = arith.constant 200 : i32
      %mul3A_58 = arith.muli %add3A_56, %mul3A_57 : i32
      %add3A_59 = arith.constant 128 : i32
      %add3A_60 = arith.addi %mul3A_58, %add3A_59 : i32
      "tpu.region"() ({
        %run_scoped3A = tpu.sem_alloc : memref<!tpu.dma_semaphore, #tpu.memory_space<semaphore_mem>>
        %dma_start3A_87 = arith.constant 0 : i32
        %dma_start3A_88 = tpu.memref_slice %arg4[%add3A_60, %dma_start3A_87] : memref<204800x128xf32, #tpu.memory_space<hbm>> -> memref<72x64xf32, #tpu.memory_space<hbm>>
        %dma_start3A_89 = arith.constant 0 : i32
        %dma_start3A_90 = tpu.memref_slice %arg4[%add3A_60, %dma_start3A_89] : memref<204800x128xf32, #tpu.memory_space<hbm>> -> memref<72x64xf32, #tpu.memory_space<hbm>>
        tpu.enqueue_dma source(%arg8 : memref<72x64xf32, #tpu.memory_space<vmem>>) target(%dma_start3A_90 : memref<72x64xf32, #tpu.memory_space<hbm>>) target_semaphore(%run_scoped3A : memref<!tpu.dma_semaphore, #tpu.memory_space<semaphore_mem>>)
        %dma_wait3A_91 = arith.constant 0 : i32
        %dma_wait3A_92 = tpu.memref_slice %arg4[%add3A_60, %dma_wait3A_91] : memref<204800x128xf32, #tpu.memory_space<hbm>> -> memref<72x64xf32, #tpu.memory_space<hbm>>
        %dma_wait3A_93 = arith.constant 0 : i32
        %dma_wait3A_94 = tpu.memref_slice %arg4[%add3A_60, %dma_wait3A_93] : memref<204800x128xf32, #tpu.memory_space<hbm>> -> memref<72x64xf32, #tpu.memory_space<hbm>>
        tpu.wait_dma2 semaphore(%run_scoped3A : memref<!tpu.dma_semaphore, #tpu.memory_space<semaphore_mem>>) src(%arg8 : memref<72x64xf32, #tpu.memory_space<vmem>>) dst(%dma_wait3A_94 : memref<72x64xf32, #tpu.memory_space<hbm>>)
        tpu.yield
      }) : () -> ()
      %lt3A = arith.constant 15 : i32
      %lt3A_61 = arith.cmpi slt, %scan3A_23, %lt3A : i32
      %convert_element_type3A_62 = arith.extui %lt3A_61 : i1 to i32
      %cond3A_63 = arith.constant 0 : i32
      %cond3A_64 = arith.cmpi ne, %convert_element_type3A_62, %cond3A_63 : i32
      scf.if %cond3A_64 {
        %add3A_87 = arith.constant 2 : i32
        %add3A_88 = arith.addi %mul3A_25, %add3A_87 : i32
        %dma_start3A_89 = arith.constant 0 : i32
        %dma_start3A_90 = tpu.memref_slice %arg6[%add3A_88, %dma_start3A_89] : memref<32x200xi32, #tpu.memory_space<vmem>> -> memref<1x128xi32, #tpu.memory_space<vmem>>
        %dma_start3A_91 = tpu.memref_squeeze %dma_start3A_90 : memref<1x128xi32, #tpu.memory_space<vmem>> -> memref<128xi32, #tpu.memory_space<vmem>>
        %dma_start3A_92 = arith.constant 0 : i32
        %dma_start3A_93 = arith.constant 0 : i32
        %dma_start3A_94 = tpu.memref_slice %arg3[%dma_start3A_92, %dma_start3A_93] : memref<1000000x64xf32, #tpu.memory_space<hbm>> -> memref<1000000x64xf32, #tpu.memory_space<hbm>>
        tpu.enqueue_indirect_dma source(%dma_start3A_94 : memref<1000000x64xf32, #tpu.memory_space<hbm>>) target(%arg7 : memref<128x64xf32, #tpu.memory_space<vmem>>) offsets(%dma_start3A_91 : memref<128xi32, #tpu.memory_space<vmem>>) semaphore(%arg13 : memref<!tpu.dma_semaphore, #tpu.memory_space<semaphore_mem>>)
        %add3A_95 = arith.constant 2 : i32
        %add3A_96 = arith.addi %mul3A_25, %add3A_95 : i32
        %dma_start3A_97 = arith.constant 128 : i32
        %dma_start3A_98 = tpu.memref_slice %arg6[%add3A_96, %dma_start3A_97] : memref<32x200xi32, #tpu.memory_space<vmem>> -> memref<1x72xi32, #tpu.memory_space<vmem>>
        %dma_start3A_99 = tpu.memref_squeeze %dma_start3A_98 : memref<1x72xi32, #tpu.memory_space<vmem>> -> memref<72xi32, #tpu.memory_space<vmem>>
        %dma_start3A_100 = arith.constant 0 : i32
        %dma_start3A_101 = arith.constant 0 : i32
        %dma_start3A_102 = tpu.memref_slice %arg3[%dma_start3A_100, %dma_start3A_101] : memref<1000000x64xf32, #tpu.memory_space<hbm>> -> memref<1000000x64xf32, #tpu.memory_space<hbm>>
        tpu.enqueue_indirect_dma source(%dma_start3A_102 : memref<1000000x64xf32, #tpu.memory_space<hbm>>) target(%arg8 : memref<72x64xf32, #tpu.memory_space<vmem>>) offsets(%dma_start3A_99 : memref<72xi32, #tpu.memory_space<vmem>>) semaphore(%arg14 : memref<!tpu.dma_semaphore, #tpu.memory_space<semaphore_mem>>)
      } else {
      }
      %dma_wait3A_65 = arith.constant 0 : i32
      %dma_wait3A_66 = tpu.memref_slice %arg6[%add3A_27, %dma_wait3A_65] : memref<32x200xi32, #tpu.memory_space<vmem>> -> memref<1x128xi32, #tpu.memory_space<vmem>>
      %dma_wait3A_67 = tpu.memref_squeeze %dma_wait3A_66 : memref<1x128xi32, #tpu.memory_space<vmem>> -> memref<128xi32, #tpu.memory_space<vmem>>
      %dma_wait3A_68 = arith.constant 0 : i32
      %dma_wait3A_69 = arith.constant 0 : i32
      %dma_wait3A_70 = tpu.memref_slice %arg3[%dma_wait3A_68, %dma_wait3A_69] : memref<1000000x64xf32, #tpu.memory_space<hbm>> -> memref<1000000x64xf32, #tpu.memory_space<hbm>>
      tpu.wait_indirect_dma semaphore(%arg15 : memref<!tpu.dma_semaphore, #tpu.memory_space<semaphore_mem>>) src(%dma_wait3A_70 : memref<1000000x64xf32, #tpu.memory_space<hbm>>) dst(%arg9 : memref<128x64xf32, #tpu.memory_space<vmem>>)
      %add3A_71 = arith.addi %mul3A_2, %add3A_27 : i32
      %mul3A_72 = arith.constant 200 : i32
      %mul3A_73 = arith.muli %add3A_71, %mul3A_72 : i32
      %add3A_74 = arith.constant 0 : i32
      %add3A_75 = arith.addi %mul3A_73, %add3A_74 : i32
      "tpu.region"() ({
        %run_scoped3A = tpu.sem_alloc : memref<!tpu.dma_semaphore, #tpu.memory_space<semaphore_mem>>
        %dma_start3A_87 = arith.constant 0 : i32
        %dma_start3A_88 = tpu.memref_slice %arg4[%add3A_75, %dma_start3A_87] : memref<204800x128xf32, #tpu.memory_space<hbm>> -> memref<128x64xf32, #tpu.memory_space<hbm>>
        %dma_start3A_89 = arith.constant 0 : i32
        %dma_start3A_90 = tpu.memref_slice %arg4[%add3A_75, %dma_start3A_89] : memref<204800x128xf32, #tpu.memory_space<hbm>> -> memref<128x64xf32, #tpu.memory_space<hbm>>
        tpu.enqueue_dma source(%arg9 : memref<128x64xf32, #tpu.memory_space<vmem>>) target(%dma_start3A_90 : memref<128x64xf32, #tpu.memory_space<hbm>>) target_semaphore(%run_scoped3A : memref<!tpu.dma_semaphore, #tpu.memory_space<semaphore_mem>>)
        %dma_wait3A_91 = arith.constant 0 : i32
        %dma_wait3A_92 = tpu.memref_slice %arg4[%add3A_75, %dma_wait3A_91] : memref<204800x128xf32, #tpu.memory_space<hbm>> -> memref<128x64xf32, #tpu.memory_space<hbm>>
        %dma_wait3A_93 = arith.constant 0 : i32
        %dma_wait3A_94 = tpu.memref_slice %arg4[%add3A_75, %dma_wait3A_93] : memref<204800x128xf32, #tpu.memory_space<hbm>> -> memref<128x64xf32, #tpu.memory_space<hbm>>
        tpu.wait_dma2 semaphore(%run_scoped3A : memref<!tpu.dma_semaphore, #tpu.memory_space<semaphore_mem>>) src(%arg9 : memref<128x64xf32, #tpu.memory_space<vmem>>) dst(%dma_wait3A_94 : memref<128x64xf32, #tpu.memory_space<hbm>>)
        tpu.yield
      }) : () -> ()
      %dma_wait3A_76 = arith.constant 128 : i32
      %dma_wait3A_77 = tpu.memref_slice %arg6[%add3A_27, %dma_wait3A_76] : memref<32x200xi32, #tpu.memory_space<vmem>> -> memref<1x72xi32, #tpu.memory_space<vmem>>
      %dma_wait3A_78 = tpu.memref_squeeze %dma_wait3A_77 : memref<1x72xi32, #tpu.memory_space<vmem>> -> memref<72xi32, #tpu.memory_space<vmem>>
      %dma_wait3A_79 = arith.constant 0 : i32
      %dma_wait3A_80 = arith.constant 0 : i32
      %dma_wait3A_81 = tpu.memref_slice %arg3[%dma_wait3A_79, %dma_wait3A_80] : memref<1000000x64xf32, #tpu.memory_space<hbm>> -> memref<1000000x64xf32, #tpu.memory_space<hbm>>
      tpu.wait_indirect_dma semaphore(%arg16 : memref<!tpu.dma_semaphore, #tpu.memory_space<semaphore_mem>>) src(%dma_wait3A_81 : memref<1000000x64xf32, #tpu.memory_space<hbm>>) dst(%arg10 : memref<72x64xf32, #tpu.memory_space<vmem>>)
      %add3A_82 = arith.addi %mul3A_2, %add3A_27 : i32
      %mul3A_83 = arith.constant 200 : i32
      %mul3A_84 = arith.muli %add3A_82, %mul3A_83 : i32
      %add3A_85 = arith.constant 128 : i32
      %add3A_86 = arith.addi %mul3A_84, %add3A_85 : i32
      "tpu.region"() ({
        %run_scoped3A = tpu.sem_alloc : memref<!tpu.dma_semaphore, #tpu.memory_space<semaphore_mem>>
        %dma_start3A_87 = arith.constant 0 : i32
        %dma_start3A_88 = tpu.memref_slice %arg4[%add3A_86, %dma_start3A_87] : memref<204800x128xf32, #tpu.memory_space<hbm>> -> memref<72x64xf32, #tpu.memory_space<hbm>>
        %dma_start3A_89 = arith.constant 0 : i32
        %dma_start3A_90 = tpu.memref_slice %arg4[%add3A_86, %dma_start3A_89] : memref<204800x128xf32, #tpu.memory_space<hbm>> -> memref<72x64xf32, #tpu.memory_space<hbm>>
        tpu.enqueue_dma source(%arg10 : memref<72x64xf32, #tpu.memory_space<vmem>>) target(%dma_start3A_90 : memref<72x64xf32, #tpu.memory_space<hbm>>) target_semaphore(%run_scoped3A : memref<!tpu.dma_semaphore, #tpu.memory_space<semaphore_mem>>)
        %dma_wait3A_91 = arith.constant 0 : i32
        %dma_wait3A_92 = tpu.memref_slice %arg4[%add3A_86, %dma_wait3A_91] : memref<204800x128xf32, #tpu.memory_space<hbm>> -> memref<72x64xf32, #tpu.memory_space<hbm>>
        %dma_wait3A_93 = arith.constant 0 : i32
        %dma_wait3A_94 = tpu.memref_slice %arg4[%add3A_86, %dma_wait3A_93] : memref<204800x128xf32, #tpu.memory_space<hbm>> -> memref<72x64xf32, #tpu.memory_space<hbm>>
        tpu.wait_dma2 semaphore(%run_scoped3A : memref<!tpu.dma_semaphore, #tpu.memory_space<semaphore_mem>>) src(%arg10 : memref<72x64xf32, #tpu.memory_space<vmem>>) dst(%dma_wait3A_94 : memref<72x64xf32, #tpu.memory_space<hbm>>)
        tpu.yield
      }) : () -> ()
    }
    %scan3A_22 = arith.constant 16 : i32
    return
  }
}

module attributes {stable_mosaic.version = 14 : i64} {
  func.func @_tc_body(%arg0: i32, %arg1: memref<16x50x64xf32, #tpu.memory_space<vmem>>, %arg2: memref<3200x128xf32, #tpu.memory_space<vmem>>, %arg3: memref<16x200xi32, #tpu.memory_space<vmem>>, %arg4: memref<16x128xf32, #tpu.memory_space<vmem>>, %arg5: memref<16x50x4xf32, #tpu.memory_space<vmem>>) attributes {dimension_semantics = [#tpu.dimension_semantics<parallel>], iteration_bounds = array<i64: 64>, scalar_prefetch = 0 : i64, scratch_operands = 0 : i64, tpu.core_type = #tpu.core_type<tc>, window_params = [{transform_indices = @transform_0, window_bounds = array<i64: 16, 50, 64>}, {transform_indices = @transform_1, window_bounds = array<i64: 3200, 128>}, {transform_indices = @transform_2, window_bounds = array<i64: 16, 200>}, {pipeline_mode = #tpu.pipeline_mode<synchronous>, transform_indices = @transform_3, window_bounds = array<i64: 16, 128>}, {transform_indices = @transform_4, window_bounds = array<i64: 16, 50, 4>}]} {
    %get3A = arith.constant 0 : index
    %get3A_0 = arith.constant 0 : index
    %get3A_1 = vector.load %arg4[%get3A, %get3A_0] : memref<16x128xf32, #tpu.memory_space<vmem>>, vector<1x64xf32>
    %iota3A = tpu.iota {dimensions = array<i32: 0>} : vector<50x200xi32>
    %iota3A_2 = tpu.iota {dimensions = array<i32: 1>} : vector<50x200xi32>
    %shift_right_arithmetic3A = arith.constant 2 : i32
    %shift_right_arithmetic3A_3 = vector.broadcast %shift_right_arithmetic3A : i32 to vector<50x200xi32>
    %shift_right_arithmetic3A_4 = arith.shrsi %iota3A_2, %shift_right_arithmetic3A_3 : vector<50x200xi32>
    %eq3A = arith.cmpi eq, %shift_right_arithmetic3A_4, %iota3A : vector<50x200xi32>
    %convert_element_type3A = arith.extui %eq3A : vector<50x200xi1> to vector<50x200xi32>
    %convert_element_type3A_5 = arith.sitofp %convert_element_type3A : vector<50x200xi32> to vector<50x200xf32>
    %iota3A_6 = tpu.iota {dimensions = array<i32: 0>} : vector<200x4xi32>
    %iota3A_7 = tpu.iota {dimensions = array<i32: 1>} : vector<200x4xi32>
    %and3A = arith.constant 3 : i32
    %and3A_8 = vector.broadcast %and3A : i32 to vector<200x4xi32>
    %and3A_9 = arith.andi %iota3A_6, %and3A_8 : vector<200x4xi32>
    %eq3A_10 = arith.cmpi eq, %and3A_9, %iota3A_7 : vector<200x4xi32>
    %convert_element_type3A_11 = arith.extui %eq3A_10 : vector<200x4xi1> to vector<200x4xi32>
    %convert_element_type3A_12 = arith.sitofp %convert_element_type3A_11 : vector<200x4xi32> to vector<200x4xf32>
    %iota3A_13 = tpu.iota {dimensions = array<i32: 0>} : vector<200x200xi32>
    %iota3A_14 = tpu.iota {dimensions = array<i32: 1>} : vector<200x200xi32>
    %eq3A_15 = arith.cmpi eq, %iota3A_13, %iota3A_14 : vector<200x200xi32>
    %convert_element_type3A_16 = arith.extui %eq3A_15 : vector<200x200xi1> to vector<200x200xi32>
    %convert_element_type3A_17 = arith.sitofp %convert_element_type3A_16 : vector<200x200xi32> to vector<200x200xf32>
    %get3A_18 = arith.constant 0 : index
    %get3A_19 = arith.constant 0 : index
    %get3A_20 = arith.constant 0 : index
    %get3A_21 = vector.load %arg1[%get3A_18, %get3A_19, %get3A_20] : memref<16x50x64xf32, #tpu.memory_space<vmem>>, vector<1x50x64xf32>
    %get3A_22 = vector.shape_cast %get3A_21 : vector<1x50x64xf32> to vector<50x64xf32>
    %get3A_23 = arith.constant 0 : index
    %get3A_24 = arith.constant 0 : index
    %get3A_25 = vector.load %arg2[%get3A_23, %get3A_24] : memref<3200x128xf32, #tpu.memory_space<vmem>>, vector<200x64xf32>
    %get3A_26 = arith.constant 0 : index
    %get3A_27 = arith.constant 0 : index
    %get3A_28 = vector.load %arg3[%get3A_26, %get3A_27] : memref<16x200xi32, #tpu.memory_space<vmem>>, vector<1x200xi32>
    %and3A_29 = arith.constant 127 : i32
    %and3A_30 = vector.broadcast %and3A_29 : i32 to vector<1x200xi32>
    %and3A_31 = arith.andi %get3A_28, %and3A_30 : vector<1x200xi32>
    %shift_right_arithmetic3A_32 = arith.constant 7 : i32
    %shift_right_arithmetic3A_33 = vector.broadcast %shift_right_arithmetic3A_32 : i32 to vector<1x200xi32>
    %shift_right_arithmetic3A_34 = arith.shrsi %get3A_28, %shift_right_arithmetic3A_33 : vector<1x200xi32>
    %and3A_35 = arith.constant 127 : i32
    %and3A_36 = vector.broadcast %and3A_35 : i32 to vector<1x200xi32>
    %and3A_37 = arith.andi %shift_right_arithmetic3A_34, %and3A_36 : vector<1x200xi32>
    %shift_right_arithmetic3A_38 = arith.constant 14 : i32
    %shift_right_arithmetic3A_39 = vector.broadcast %shift_right_arithmetic3A_38 : i32 to vector<1x200xi32>
    %shift_right_arithmetic3A_40 = arith.shrsi %get3A_28, %shift_right_arithmetic3A_39 : vector<1x200xi32>
    %convert_element_type3A_41 = arith.sitofp %and3A_31 : vector<1x200xi32> to vector<1x200xf32>
    %dot_general3A = arith.constant dense<0.000000e+00> : vector<200x1xf32>
    %dot_general3A_42 = tpu.matmul %convert_element_type3A_17, %convert_element_type3A_41, %dot_general3A {dimension_numbers = #tpu.dot_dimension_numbers<[1], [1], [0], [0], [0, 0, 1, 0], [], []>, transpose_lhs_hint = false} : vector<200x200xf32>, vector<1x200xf32>, vector<200x1xf32> -> vector<200x1xf32>
    %convert_element_type3A_43 = arith.sitofp %and3A_37 : vector<1x200xi32> to vector<1x200xf32>
    %dot_general3A_44 = arith.constant dense<0.000000e+00> : vector<200x1xf32>
    %dot_general3A_45 = tpu.matmul %convert_element_type3A_17, %convert_element_type3A_43, %dot_general3A_44 {dimension_numbers = #tpu.dot_dimension_numbers<[1], [1], [0], [0], [0, 0, 1, 0], [], []>, transpose_lhs_hint = false} : vector<200x200xf32>, vector<1x200xf32>, vector<200x1xf32> -> vector<200x1xf32>
    %convert_element_type3A_46 = arith.sitofp %shift_right_arithmetic3A_40 : vector<1x200xi32> to vector<1x200xf32>
    %dot_general3A_47 = arith.constant dense<0.000000e+00> : vector<200x1xf32>
    %dot_general3A_48 = tpu.matmul %convert_element_type3A_17, %convert_element_type3A_46, %dot_general3A_47 {dimension_numbers = #tpu.dot_dimension_numbers<[1], [1], [0], [0], [0, 0, 1, 0], [], []>, transpose_lhs_hint = false} : vector<200x200xf32>, vector<1x200xf32>, vector<200x1xf32> -> vector<200x1xf32>
    %mul3A = arith.constant 1.280000e+02 : f32
    %mul3A_49 = vector.broadcast %mul3A : f32 to vector<200x1xf32>
    %mul3A_50 = arith.mulf %mul3A_49, %dot_general3A_45 : vector<200x1xf32>
    %add3A = arith.addf %dot_general3A_42, %mul3A_50 : vector<200x1xf32>
    %mul3A_51 = arith.constant 1.638400e+04 : f32
    %mul3A_52 = vector.broadcast %mul3A_51 : f32 to vector<200x1xf32>
    %mul3A_53 = arith.mulf %mul3A_52, %dot_general3A_48 : vector<200x1xf32>
    %add3A_54 = arith.addf %add3A, %mul3A_53 : vector<200x1xf32>
    %convert_element_type3A_55 = arith.sitofp %get3A_28 : vector<1x200xi32> to vector<1x200xf32>
    %eq3A_56 = vector.broadcast %add3A_54 : vector<200x1xf32> to vector<200x200xf32>
    %eq3A_57 = vector.broadcast %convert_element_type3A_55 : vector<1x200xf32> to vector<200x200xf32>
    %eq3A_58 = arith.cmpf oeq, %eq3A_56, %eq3A_57 : vector<200x200xf32>
    %convert_element_type3A_59 = arith.extui %eq3A_58 : vector<200x200xi1> to vector<200x200xi32>
    %convert_element_type3A_60 = arith.sitofp %convert_element_type3A_59 : vector<200x200xi32> to vector<200x200xf32>
    %reduce_sum3A = arith.constant dense<0.000000e+00> : vector<200xf32>
    %reduce_sum3A_61 = vector.multi_reduction <add>, %convert_element_type3A_60, %reduce_sum3A [0] : vector<200x200xf32> to vector<200xf32>
    %broadcast_in_dim3A = vector.shape_cast %reduce_sum3A_61 : vector<200xf32> to vector<1x200xf32>
    %div3A = arith.constant 1.000000e+00 : f32
    %div3A_62 = vector.broadcast %div3A : f32 to vector<1x200xf32>
    %div3A_63 = arith.divf %div3A_62, %broadcast_in_dim3A : vector<1x200xf32>
    %reduce_sum3A_64 = vector.shape_cast %div3A_63 : vector<1x200xf32> to vector<1x1x200xf32>
    %reduce_sum3A_65 = arith.constant dense<0.000000e+00> : vector<1xf32>
    %reduce_sum3A_66 = vector.multi_reduction <add>, %reduce_sum3A_64, %reduce_sum3A_65 [1, 2] : vector<1x1x200xf32> to vector<1xf32>
    %reduce_sum3A_67 = vector.shape_cast %reduce_sum3A_66 : vector<1xf32> to vector<1x1x1xf32>
    %reduce_sum3A_68 = vector.extract %reduce_sum3A_67[0, 0, 0] : f32 from vector<1x1x1xf32>
    %sub3A = arith.constant 2.000000e+02 : f32
    %sub3A_69 = arith.subf %sub3A, %reduce_sum3A_68 : f32
    %dot_general3A_70 = arith.constant dense<0.000000e+00> : vector<50x200xf32>
    %dot_general3A_71 = tpu.matmul %get3A_22, %get3A_25, %dot_general3A_70 {dimension_numbers = #tpu.dot_dimension_numbers<[1], [1], [0], [0], [0, 0, 1, 0], [], []>, transpose_lhs_hint = false} : vector<50x64xf32>, vector<200x64xf32>, vector<50x200xf32> -> vector<50x200xf32>
    %mul3A_72 = vector.broadcast %get3A_1 : vector<1x64xf32> to vector<50x64xf32>
    %mul3A_73 = arith.mulf %get3A_22, %mul3A_72 : vector<50x64xf32>
    %reduce_sum3A_74 = arith.constant dense<0.000000e+00> : vector<50xf32>
    %reduce_sum3A_75 = vector.multi_reduction <add>, %mul3A_73, %reduce_sum3A_74 [1] : vector<50x64xf32> to vector<50xf32>
    %broadcast_in_dim3A_76 = vector.shape_cast %reduce_sum3A_75 : vector<50xf32> to vector<50x1xf32>
    %reduce_max3A = arith.constant dense<0xFF800000> : vector<50xf32>
    %reduce_max3A_77 = vector.multi_reduction <maximumf>, %dot_general3A_71, %reduce_max3A [1] : vector<50x200xf32> to vector<50xf32>
    %broadcast_in_dim3A_78 = vector.shape_cast %reduce_max3A_77 : vector<50xf32> to vector<50x1xf32>
    %max3A = arith.maximumf %broadcast_in_dim3A_78, %broadcast_in_dim3A_76 : vector<50x1xf32>
    %sub3A_79 = vector.broadcast %max3A : vector<50x1xf32> to vector<50x200xf32>
    %sub3A_80 = arith.subf %dot_general3A_71, %sub3A_79 : vector<50x200xf32>
    %exp3A = math.exp %sub3A_80 : vector<50x200xf32>
    %mul3A_81 = vector.broadcast %div3A_63 : vector<1x200xf32> to vector<50x200xf32>
    %mul3A_82 = arith.mulf %exp3A, %mul3A_81 : vector<50x200xf32>
    %reduce_sum3A_83 = arith.constant dense<0.000000e+00> : vector<50xf32>
    %reduce_sum3A_84 = vector.multi_reduction <add>, %mul3A_82, %reduce_sum3A_83 [1] : vector<50x200xf32> to vector<50xf32>
    %broadcast_in_dim3A_85 = vector.shape_cast %reduce_sum3A_84 : vector<50xf32> to vector<50x1xf32>
    %sub3A_86 = arith.subf %broadcast_in_dim3A_76, %max3A : vector<50x1xf32>
    %exp3A_87 = math.exp %sub3A_86 : vector<50x1xf32>
    %mul3A_88 = vector.broadcast %sub3A_69 : f32 to vector<50x1xf32>
    %mul3A_89 = arith.mulf %mul3A_88, %exp3A_87 : vector<50x1xf32>
    %add3A_90 = arith.addf %broadcast_in_dim3A_85, %mul3A_89 : vector<50x1xf32>
    %log3A = math.log %add3A_90 : vector<50x1xf32>
    %add3A_91 = arith.addf %max3A, %log3A : vector<50x1xf32>
    %mul3A_92 = arith.mulf %dot_general3A_71, %convert_element_type3A_5 : vector<50x200xf32>
    %dot_general3A_93 = arith.constant dense<0.000000e+00> : vector<50x4xf32>
    %dot_general3A_94 = tpu.matmul %mul3A_92, %convert_element_type3A_12, %dot_general3A_93 {dimension_numbers = #tpu.dot_dimension_numbers<[1], [0], [0], [1], [0, 0, 1, 1], [], []>, transpose_lhs_hint = false} : vector<50x200xf32>, vector<200x4xf32>, vector<50x4xf32> -> vector<50x4xf32>
    %sub3A_95 = vector.broadcast %add3A_91 : vector<50x1xf32> to vector<50x4xf32>
    %sub3A_96 = arith.subf %dot_general3A_94, %sub3A_95 : vector<50x4xf32>
    %swap3A = arith.constant 0 : index
    %swap3A_97 = arith.constant 0 : index
    %swap3A_98 = arith.constant 0 : index
    %swap3A_99 = vector.load %arg5[%swap3A, %swap3A_97, %swap3A_98] : memref<16x50x4xf32, #tpu.memory_space<vmem>>, vector<1x50x4xf32>
    %swap3A_100 = vector.shape_cast %swap3A_99 : vector<1x50x4xf32> to vector<50x4xf32>
    %swap3A_101 = vector.shape_cast %sub3A_96 : vector<50x4xf32> to vector<1x50x4xf32>
    tpu.vector_store %arg5[%swap3A, %swap3A_97, %swap3A_98], %swap3A_101 {strides = array<i32>} : memref<16x50x4xf32, #tpu.memory_space<vmem>>, vector<1x50x4xf32>,
    %get3A_102 = arith.constant 1 : index
    %get3A_103 = arith.constant 0 : index
    %get3A_104 = arith.constant 0 : index
    %get3A_105 = vector.load %arg1[%get3A_102, %get3A_103, %get3A_104] : memref<16x50x64xf32, #tpu.memory_space<vmem>>, vector<1x50x64xf32>
    %get3A_106 = vector.shape_cast %get3A_105 : vector<1x50x64xf32> to vector<50x64xf32>
    %get3A_107 = arith.constant 200 : index
    %get3A_108 = arith.constant 0 : index
    %get3A_109 = vector.load %arg2[%get3A_107, %get3A_108] : memref<3200x128xf32, #tpu.memory_space<vmem>>, vector<200x64xf32>
    %get3A_110 = arith.constant 1 : index
    %get3A_111 = arith.constant 0 : index
    %get3A_112 = vector.load %arg3[%get3A_110, %get3A_111] : memref<16x200xi32, #tpu.memory_space<vmem>>, vector<1x200xi32>
    %and3A_113 = arith.constant 127 : i32
    %and3A_114 = vector.broadcast %and3A_113 : i32 to vector<1x200xi32>
    %and3A_115 = arith.andi %get3A_112, %and3A_114 : vector<1x200xi32>
    %shift_right_arithmetic3A_116 = arith.constant 7 : i32
    %shift_right_arithmetic3A_117 = vector.broadcast %shift_right_arithmetic3A_116 : i32 to vector<1x200xi32>
    %shift_right_arithmetic3A_118 = arith.shrsi %get3A_112, %shift_right_arithmetic3A_117 : vector<1x200xi32>
    %and3A_119 = arith.constant 127 : i32
    %and3A_120 = vector.broadcast %and3A_119 : i32 to vector<1x200xi32>
    %and3A_121 = arith.andi %shift_right_arithmetic3A_118, %and3A_120 : vector<1x200xi32>
    %shift_right_arithmetic3A_122 = arith.constant 14 : i32
    %shift_right_arithmetic3A_123 = vector.broadcast %shift_right_arithmetic3A_122 : i32 to vector<1x200xi32>
    %shift_right_arithmetic3A_124 = arith.shrsi %get3A_112, %shift_right_arithmetic3A_123 : vector<1x200xi32>
    %convert_element_type3A_125 = arith.sitofp %and3A_115 : vector<1x200xi32> to vector<1x200xf32>
    %dot_general3A_126 = arith.constant dense<0.000000e+00> : vector<200x1xf32>
    %dot_general3A_127 = tpu.matmul %convert_element_type3A_17, %convert_element_type3A_125, %dot_general3A_126 {dimension_numbers = #tpu.dot_dimension_numbers<[1], [1], [0], [0], [0, 0, 1, 0], [], []>, transpose_lhs_hint = false} : vector<200x200xf32>, vector<1x200xf32>, vector<200x1xf32> -> vector<200x1xf32>
    %convert_element_type3A_128 = arith.sitofp %and3A_121 : vector<1x200xi32> to vector<1x200xf32>
    %dot_general3A_129 = arith.constant dense<0.000000e+00> : vector<200x1xf32>
    %dot_general3A_130 = tpu.matmul %convert_element_type3A_17, %convert_element_type3A_128, %dot_general3A_129 {dimension_numbers = #tpu.dot_dimension_numbers<[1], [1], [0], [0], [0, 0, 1, 0], [], []>, transpose_lhs_hint = false} : vector<200x200xf32>, vector<1x200xf32>, vector<200x1xf32> -> vector<200x1xf32>
    %convert_element_type3A_131 = arith.sitofp %shift_right_arithmetic3A_124 : vector<1x200xi32> to vector<1x200xf32>
    %dot_general3A_132 = arith.constant dense<0.000000e+00> : vector<200x1xf32>
    %dot_general3A_133 = tpu.matmul %convert_element_type3A_17, %convert_element_type3A_131, %dot_general3A_132 {dimension_numbers = #tpu.dot_dimension_numbers<[1], [1], [0], [0], [0, 0, 1, 0], [], []>, transpose_lhs_hint = false} : vector<200x200xf32>, vector<1x200xf32>, vector<200x1xf32> -> vector<200x1xf32>
    %mul3A_134 = arith.constant 1.280000e+02 : f32
    %mul3A_135 = vector.broadcast %mul3A_134 : f32 to vector<200x1xf32>
    %mul3A_136 = arith.mulf %mul3A_135, %dot_general3A_130 : vector<200x1xf32>
    %add3A_137 = arith.addf %dot_general3A_127, %mul3A_136 : vector<200x1xf32>
    %mul3A_138 = arith.constant 1.638400e+04 : f32
    %mul3A_139 = vector.broadcast %mul3A_138 : f32 to vector<200x1xf32>
    %mul3A_140 = arith.mulf %mul3A_139, %dot_general3A_133 : vector<200x1xf32>
    %add3A_141 = arith.addf %add3A_137, %mul3A_140 : vector<200x1xf32>
    %convert_element_type3A_142 = arith.sitofp %get3A_112 : vector<1x200xi32> to vector<1x200xf32>
    %eq3A_143 = vector.broadcast %add3A_141 : vector<200x1xf32> to vector<200x200xf32>
    %eq3A_144 = vector.broadcast %convert_element_type3A_142 : vector<1x200xf32> to vector<200x200xf32>
    %eq3A_145 = arith.cmpf oeq, %eq3A_143, %eq3A_144 : vector<200x200xf32>
    %convert_element_type3A_146 = arith.extui %eq3A_145 : vector<200x200xi1> to vector<200x200xi32>
    %convert_element_type3A_147 = arith.sitofp %convert_element_type3A_146 : vector<200x200xi32> to vector<200x200xf32>
    %reduce_sum3A_148 = arith.constant dense<0.000000e+00> : vector<200xf32>
    %reduce_sum3A_149 = vector.multi_reduction <add>, %convert_element_type3A_147, %reduce_sum3A_148 [0] : vector<200x200xf32> to vector<200xf32>
    %broadcast_in_dim3A_150 = vector.shape_cast %reduce_sum3A_149 : vector<200xf32> to vector<1x200xf32>
    %div3A_151 = arith.constant 1.000000e+00 : f32
    %div3A_152 = vector.broadcast %div3A_151 : f32 to vector<1x200xf32>
    %div3A_153 = arith.divf %div3A_152, %broadcast_in_dim3A_150 : vector<1x200xf32>
    %reduce_sum3A_154 = vector.shape_cast %div3A_153 : vector<1x200xf32> to vector<1x1x200xf32>
    %reduce_sum3A_155 = arith.constant dense<0.000000e+00> : vector<1xf32>
    %reduce_sum3A_156 = vector.multi_reduction <add>, %reduce_sum3A_154, %reduce_sum3A_155 [1, 2] : vector<1x1x200xf32> to vector<1xf32>
    %reduce_sum3A_157 = vector.shape_cast %reduce_sum3A_156 : vector<1xf32> to vector<1x1x1xf32>
    %reduce_sum3A_158 = vector.extract %reduce_sum3A_157[0, 0, 0] : f32 from vector<1x1x1xf32>
    %sub3A_159 = arith.constant 2.000000e+02 : f32
    %sub3A_160 = arith.subf %sub3A_159, %reduce_sum3A_158 : f32
    %dot_general3A_161 = arith.constant dense<0.000000e+00> : vector<50x200xf32>
    %dot_general3A_162 = tpu.matmul %get3A_106, %get3A_109, %dot_general3A_161 {dimension_numbers = #tpu.dot_dimension_numbers<[1], [1], [0], [0], [0, 0, 1, 0], [], []>, transpose_lhs_hint = false} : vector<50x64xf32>, vector<200x64xf32>, vector<50x200xf32> -> vector<50x200xf32>
    %mul3A_163 = vector.broadcast %get3A_1 : vector<1x64xf32> to vector<50x64xf32>
    %mul3A_164 = arith.mulf %get3A_106, %mul3A_163 : vector<50x64xf32>
    %reduce_sum3A_165 = arith.constant dense<0.000000e+00> : vector<50xf32>
    %reduce_sum3A_166 = vector.multi_reduction <add>, %mul3A_164, %reduce_sum3A_165 [1] : vector<50x64xf32> to vector<50xf32>
    %broadcast_in_dim3A_167 = vector.shape_cast %reduce_sum3A_166 : vector<50xf32> to vector<50x1xf32>
    %reduce_max3A_168 = arith.constant dense<0xFF800000> : vector<50xf32>
    %reduce_max3A_169 = vector.multi_reduction <maximumf>, %dot_general3A_162, %reduce_max3A_168 [1] : vector<50x200xf32> to vector<50xf32>
    %broadcast_in_dim3A_170 = vector.shape_cast %reduce_max3A_169 : vector<50xf32> to vector<50x1xf32>
    %max3A_171 = arith.maximumf %broadcast_in_dim3A_170, %broadcast_in_dim3A_167 : vector<50x1xf32>
    %sub3A_172 = vector.broadcast %max3A_171 : vector<50x1xf32> to vector<50x200xf32>
    %sub3A_173 = arith.subf %dot_general3A_162, %sub3A_172 : vector<50x200xf32>
    %exp3A_174 = math.exp %sub3A_173 : vector<50x200xf32>
    %mul3A_175 = vector.broadcast %div3A_153 : vector<1x200xf32> to vector<50x200xf32>
    %mul3A_176 = arith.mulf %exp3A_174, %mul3A_175 : vector<50x200xf32>
    %reduce_sum3A_177 = arith.constant dense<0.000000e+00> : vector<50xf32>
    %reduce_sum3A_178 = vector.multi_reduction <add>, %mul3A_176, %reduce_sum3A_177 [1] : vector<50x200xf32> to vector<50xf32>
    %broadcast_in_dim3A_179 = vector.shape_cast %reduce_sum3A_178 : vector<50xf32> to vector<50x1xf32>
    %sub3A_180 = arith.subf %broadcast_in_dim3A_167, %max3A_171 : vector<50x1xf32>
    %exp3A_181 = math.exp %sub3A_180 : vector<50x1xf32>
    %mul3A_182 = vector.broadcast %sub3A_160 : f32 to vector<50x1xf32>
    %mul3A_183 = arith.mulf %mul3A_182, %exp3A_181 : vector<50x1xf32>
    %add3A_184 = arith.addf %broadcast_in_dim3A_179, %mul3A_183 : vector<50x1xf32>
    %log3A_185 = math.log %add3A_184 : vector<50x1xf32>
    %add3A_186 = arith.addf %max3A_171, %log3A_185 : vector<50x1xf32>
    %mul3A_187 = arith.mulf %dot_general3A_162, %convert_element_type3A_5 : vector<50x200xf32>
    %dot_general3A_188 = arith.constant dense<0.000000e+00> : vector<50x4xf32>
    %dot_general3A_189 = tpu.matmul %mul3A_187, %convert_element_type3A_12, %dot_general3A_188 {dimension_numbers = #tpu.dot_dimension_numbers<[1], [0], [0], [1], [0, 0, 1, 1], [], []>, transpose_lhs_hint = false} : vector<50x200xf32>, vector<200x4xf32>, vector<50x4xf32> -> vector<50x4xf32>
    %sub3A_190 = vector.broadcast %add3A_186 : vector<50x1xf32> to vector<50x4xf32>
    %sub3A_191 = arith.subf %dot_general3A_189, %sub3A_190 : vector<50x4xf32>
    %swap3A_192 = arith.constant 1 : index
    %swap3A_193 = arith.constant 0 : index
    %swap3A_194 = arith.constant 0 : index
    %swap3A_195 = vector.load %arg5[%swap3A_192, %swap3A_193, %swap3A_194] : memref<16x50x4xf32, #tpu.memory_space<vmem>>, vector<1x50x4xf32>
    %swap3A_196 = vector.shape_cast %swap3A_195 : vector<1x50x4xf32> to vector<50x4xf32>
    %swap3A_197 = vector.shape_cast %sub3A_191 : vector<50x4xf32> to vector<1x50x4xf32>
    tpu.vector_store %arg5[%swap3A_192, %swap3A_193, %swap3A_194], %swap3A_197 {strides = array<i32>} : memref<16x50x4xf32, #tpu.memory_space<vmem>>, vector<1x50x4xf32>,
    %get3A_198 = arith.constant 2 : index
    %get3A_199 = arith.constant 0 : index
    %get3A_200 = arith.constant 0 : index
    %get3A_201 = vector.load %arg1[%get3A_198, %get3A_199, %get3A_200] : memref<16x50x64xf32, #tpu.memory_space<vmem>>, vector<1x50x64xf32>
    %get3A_202 = vector.shape_cast %get3A_201 : vector<1x50x64xf32> to vector<50x64xf32>
    %get3A_203 = arith.constant 400 : index
    %get3A_204 = arith.constant 0 : index
    %get3A_205 = vector.load %arg2[%get3A_203, %get3A_204] : memref<3200x128xf32, #tpu.memory_space<vmem>>, vector<200x64xf32>
    %get3A_206 = arith.constant 2 : index
    %get3A_207 = arith.constant 0 : index
    %get3A_208 = vector.load %arg3[%get3A_206, %get3A_207] : memref<16x200xi32, #tpu.memory_space<vmem>>, vector<1x200xi32>
    %and3A_209 = arith.constant 127 : i32
    %and3A_210 = vector.broadcast %and3A_209 : i32 to vector<1x200xi32>
    %and3A_211 = arith.andi %get3A_208, %and3A_210 : vector<1x200xi32>
    %shift_right_arithmetic3A_212 = arith.constant 7 : i32
    %shift_right_arithmetic3A_213 = vector.broadcast %shift_right_arithmetic3A_212 : i32 to vector<1x200xi32>
    %shift_right_arithmetic3A_214 = arith.shrsi %get3A_208, %shift_right_arithmetic3A_213 : vector<1x200xi32>
    %and3A_215 = arith.constant 127 : i32
    %and3A_216 = vector.broadcast %and3A_215 : i32 to vector<1x200xi32>
    %and3A_217 = arith.andi %shift_right_arithmetic3A_214, %and3A_216 : vector<1x200xi32>
    %shift_right_arithmetic3A_218 = arith.constant 14 : i32
    %shift_right_arithmetic3A_219 = vector.broadcast %shift_right_arithmetic3A_218 : i32 to vector<1x200xi32>
    %shift_right_arithmetic3A_220 = arith.shrsi %get3A_208, %shift_right_arithmetic3A_219 : vector<1x200xi32>
    %convert_element_type3A_221 = arith.sitofp %and3A_211 : vector<1x200xi32> to vector<1x200xf32>
    %dot_general3A_222 = arith.constant dense<0.000000e+00> : vector<200x1xf32>
    %dot_general3A_223 = tpu.matmul %convert_element_type3A_17, %convert_element_type3A_221, %dot_general3A_222 {dimension_numbers = #tpu.dot_dimension_numbers<[1], [1], [0], [0], [0, 0, 1, 0], [], []>, transpose_lhs_hint = false} : vector<200x200xf32>, vector<1x200xf32>, vector<200x1xf32> -> vector<200x1xf32>
    %convert_element_type3A_224 = arith.sitofp %and3A_217 : vector<1x200xi32> to vector<1x200xf32>
    %dot_general3A_225 = arith.constant dense<0.000000e+00> : vector<200x1xf32>
    %dot_general3A_226 = tpu.matmul %convert_element_type3A_17, %convert_element_type3A_224, %dot_general3A_225 {dimension_numbers = #tpu.dot_dimension_numbers<[1], [1], [0], [0], [0, 0, 1, 0], [], []>, transpose_lhs_hint = false} : vector<200x200xf32>, vector<1x200xf32>, vector<200x1xf32> -> vector<200x1xf32>
    %convert_element_type3A_227 = arith.sitofp %shift_right_arithmetic3A_220 : vector<1x200xi32> to vector<1x200xf32>
    %dot_general3A_228 = arith.constant dense<0.000000e+00> : vector<200x1xf32>
    %dot_general3A_229 = tpu.matmul %convert_element_type3A_17, %convert_element_type3A_227, %dot_general3A_228 {dimension_numbers = #tpu.dot_dimension_numbers<[1], [1], [0], [0], [0, 0, 1, 0], [], []>, transpose_lhs_hint = false} : vector<200x200xf32>, vector<1x200xf32>, vector<200x1xf32> -> vector<200x1xf32>
    %mul3A_230 = arith.constant 1.280000e+02 : f32
    %mul3A_231 = vector.broadcast %mul3A_230 : f32 to vector<200x1xf32>
    %mul3A_232 = arith.mulf %mul3A_231, %dot_general3A_226 : vector<200x1xf32>
    %add3A_233 = arith.addf %dot_general3A_223, %mul3A_232 : vector<200x1xf32>
    %mul3A_234 = arith.constant 1.638400e+04 : f32
    %mul3A_235 = vector.broadcast %mul3A_234 : f32 to vector<200x1xf32>
    %mul3A_236 = arith.mulf %mul3A_235, %dot_general3A_229 : vector<200x1xf32>
    %add3A_237 = arith.addf %add3A_233, %mul3A_236 : vector<200x1xf32>
    %convert_element_type3A_238 = arith.sitofp %get3A_208 : vector<1x200xi32> to vector<1x200xf32>
    %eq3A_239 = vector.broadcast %add3A_237 : vector<200x1xf32> to vector<200x200xf32>
    %eq3A_240 = vector.broadcast %convert_element_type3A_238 : vector<1x200xf32> to vector<200x200xf32>
    %eq3A_241 = arith.cmpf oeq, %eq3A_239, %eq3A_240 : vector<200x200xf32>
    %convert_element_type3A_242 = arith.extui %eq3A_241 : vector<200x200xi1> to vector<200x200xi32>
    %convert_element_type3A_243 = arith.sitofp %convert_element_type3A_242 : vector<200x200xi32> to vector<200x200xf32>
    %reduce_sum3A_244 = arith.constant dense<0.000000e+00> : vector<200xf32>
    %reduce_sum3A_245 = vector.multi_reduction <add>, %convert_element_type3A_243, %reduce_sum3A_244 [0] : vector<200x200xf32> to vector<200xf32>
    %broadcast_in_dim3A_246 = vector.shape_cast %reduce_sum3A_245 : vector<200xf32> to vector<1x200xf32>
    %div3A_247 = arith.constant 1.000000e+00 : f32
    %div3A_248 = vector.broadcast %div3A_247 : f32 to vector<1x200xf32>
    %div3A_249 = arith.divf %div3A_248, %broadcast_in_dim3A_246 : vector<1x200xf32>
    %reduce_sum3A_250 = vector.shape_cast %div3A_249 : vector<1x200xf32> to vector<1x1x200xf32>
    %reduce_sum3A_251 = arith.constant dense<0.000000e+00> : vector<1xf32>
    %reduce_sum3A_252 = vector.multi_reduction <add>, %reduce_sum3A_250, %reduce_sum3A_251 [1, 2] : vector<1x1x200xf32> to vector<1xf32>
    %reduce_sum3A_253 = vector.shape_cast %reduce_sum3A_252 : vector<1xf32> to vector<1x1x1xf32>
    %reduce_sum3A_254 = vector.extract %reduce_sum3A_253[0, 0, 0] : f32 from vector<1x1x1xf32>
    %sub3A_255 = arith.constant 2.000000e+02 : f32
    %sub3A_256 = arith.subf %sub3A_255, %reduce_sum3A_254 : f32
    %dot_general3A_257 = arith.constant dense<0.000000e+00> : vector<50x200xf32>
    %dot_general3A_258 = tpu.matmul %get3A_202, %get3A_205, %dot_general3A_257 {dimension_numbers = #tpu.dot_dimension_numbers<[1], [1], [0], [0], [0, 0, 1, 0], [], []>, transpose_lhs_hint = false} : vector<50x64xf32>, vector<200x64xf32>, vector<50x200xf32> -> vector<50x200xf32>
    %mul3A_259 = vector.broadcast %get3A_1 : vector<1x64xf32> to vector<50x64xf32>
    %mul3A_260 = arith.mulf %get3A_202, %mul3A_259 : vector<50x64xf32>
    %reduce_sum3A_261 = arith.constant dense<0.000000e+00> : vector<50xf32>
    %reduce_sum3A_262 = vector.multi_reduction <add>, %mul3A_260, %reduce_sum3A_261 [1] : vector<50x64xf32> to vector<50xf32>
    %broadcast_in_dim3A_263 = vector.shape_cast %reduce_sum3A_262 : vector<50xf32> to vector<50x1xf32>
    %reduce_max3A_264 = arith.constant dense<0xFF800000> : vector<50xf32>
    %reduce_max3A_265 = vector.multi_reduction <maximumf>, %dot_general3A_258, %reduce_max3A_264 [1] : vector<50x200xf32> to vector<50xf32>
    %broadcast_in_dim3A_266 = vector.shape_cast %reduce_max3A_265 : vector<50xf32> to vector<50x1xf32>
    %max3A_267 = arith.maximumf %broadcast_in_dim3A_266, %broadcast_in_dim3A_263 : vector<50x1xf32>
    %sub3A_268 = vector.broadcast %max3A_267 : vector<50x1xf32> to vector<50x200xf32>
    %sub3A_269 = arith.subf %dot_general3A_258, %sub3A_268 : vector<50x200xf32>
    %exp3A_270 = math.exp %sub3A_269 : vector<50x200xf32>
    %mul3A_271 = vector.broadcast %div3A_249 : vector<1x200xf32> to vector<50x200xf32>
    %mul3A_272 = arith.mulf %exp3A_270, %mul3A_271 : vector<50x200xf32>
    %reduce_sum3A_273 = arith.constant dense<0.000000e+00> : vector<50xf32>
    %reduce_sum3A_274 = vector.multi_reduction <add>, %mul3A_272, %reduce_sum3A_273 [1] : vector<50x200xf32> to vector<50xf32>
    %broadcast_in_dim3A_275 = vector.shape_cast %reduce_sum3A_274 : vector<50xf32> to vector<50x1xf32>
    %sub3A_276 = arith.subf %broadcast_in_dim3A_263, %max3A_267 : vector<50x1xf32>
    %exp3A_277 = math.exp %sub3A_276 : vector<50x1xf32>
    %mul3A_278 = vector.broadcast %sub3A_256 : f32 to vector<50x1xf32>
    %mul3A_279 = arith.mulf %mul3A_278, %exp3A_277 : vector<50x1xf32>
    %add3A_280 = arith.addf %broadcast_in_dim3A_275, %mul3A_279 : vector<50x1xf32>
    %log3A_281 = math.log %add3A_280 : vector<50x1xf32>
    %add3A_282 = arith.addf %max3A_267, %log3A_281 : vector<50x1xf32>
    %mul3A_283 = arith.mulf %dot_general3A_258, %convert_element_type3A_5 : vector<50x200xf32>
    %dot_general3A_284 = arith.constant dense<0.000000e+00> : vector<50x4xf32>
    %dot_general3A_285 = tpu.matmul %mul3A_283, %convert_element_type3A_12, %dot_general3A_284 {dimension_numbers = #tpu.dot_dimension_numbers<[1], [0], [0], [1], [0, 0, 1, 1], [], []>, transpose_lhs_hint = false} : vector<50x200xf32>, vector<200x4xf32>, vector<50x4xf32> -> vector<50x4xf32>
    %sub3A_286 = vector.broadcast %add3A_282 : vector<50x1xf32> to vector<50x4xf32>
    %sub3A_287 = arith.subf %dot_general3A_285, %sub3A_286 : vector<50x4xf32>
    %swap3A_288 = arith.constant 2 : index
    %swap3A_289 = arith.constant 0 : index
    %swap3A_290 = arith.constant 0 : index
    %swap3A_291 = vector.load %arg5[%swap3A_288, %swap3A_289, %swap3A_290] : memref<16x50x4xf32, #tpu.memory_space<vmem>>, vector<1x50x4xf32>
    %swap3A_292 = vector.shape_cast %swap3A_291 : vector<1x50x4xf32> to vector<50x4xf32>
    %swap3A_293 = vector.shape_cast %sub3A_287 : vector<50x4xf32> to vector<1x50x4xf32>
    tpu.vector_store %arg5[%swap3A_288, %swap3A_289, %swap3A_290], %swap3A_293 {strides = array<i32>} : memref<16x50x4xf32, #tpu.memory_space<vmem>>, vector<1x50x4xf32>,
    %get3A_294 = arith.constant 3 : index
    %get3A_295 = arith.constant 0 : index
    %get3A_296 = arith.constant 0 : index
    %get3A_297 = vector.load %arg1[%get3A_294, %get3A_295, %get3A_296] : memref<16x50x64xf32, #tpu.memory_space<vmem>>, vector<1x50x64xf32>
    %get3A_298 = vector.shape_cast %get3A_297 : vector<1x50x64xf32> to vector<50x64xf32>
    %get3A_299 = arith.constant 600 : index
    %get3A_300 = arith.constant 0 : index
    %get3A_301 = vector.load %arg2[%get3A_299, %get3A_300] : memref<3200x128xf32, #tpu.memory_space<vmem>>, vector<200x64xf32>
    %get3A_302 = arith.constant 3 : index
    %get3A_303 = arith.constant 0 : index
    %get3A_304 = vector.load %arg3[%get3A_302, %get3A_303] : memref<16x200xi32, #tpu.memory_space<vmem>>, vector<1x200xi32>
    %and3A_305 = arith.constant 127 : i32
    %and3A_306 = vector.broadcast %and3A_305 : i32 to vector<1x200xi32>
    %and3A_307 = arith.andi %get3A_304, %and3A_306 : vector<1x200xi32>
    %shift_right_arithmetic3A_308 = arith.constant 7 : i32
    %shift_right_arithmetic3A_309 = vector.broadcast %shift_right_arithmetic3A_308 : i32 to vector<1x200xi32>
    %shift_right_arithmetic3A_310 = arith.shrsi %get3A_304, %shift_right_arithmetic3A_309 : vector<1x200xi32>
    %and3A_311 = arith.constant 127 : i32
    %and3A_312 = vector.broadcast %and3A_311 : i32 to vector<1x200xi32>
    %and3A_313 = arith.andi %shift_right_arithmetic3A_310, %and3A_312 : vector<1x200xi32>
    %shift_right_arithmetic3A_314 = arith.constant 14 : i32
    %shift_right_arithmetic3A_315 = vector.broadcast %shift_right_arithmetic3A_314 : i32 to vector<1x200xi32>
    %shift_right_arithmetic3A_316 = arith.shrsi %get3A_304, %shift_right_arithmetic3A_315 : vector<1x200xi32>
    %convert_element_type3A_317 = arith.sitofp %and3A_307 : vector<1x200xi32> to vector<1x200xf32>
    %dot_general3A_318 = arith.constant dense<0.000000e+00> : vector<200x1xf32>
    %dot_general3A_319 = tpu.matmul %convert_element_type3A_17, %convert_element_type3A_317, %dot_general3A_318 {dimension_numbers = #tpu.dot_dimension_numbers<[1], [1], [0], [0], [0, 0, 1, 0], [], []>, transpose_lhs_hint = false} : vector<200x200xf32>, vector<1x200xf32>, vector<200x1xf32> -> vector<200x1xf32>
    %convert_element_type3A_320 = arith.sitofp %and3A_313 : vector<1x200xi32> to vector<1x200xf32>
    %dot_general3A_321 = arith.constant dense<0.000000e+00> : vector<200x1xf32>
    %dot_general3A_322 = tpu.matmul %convert_element_type3A_17, %convert_element_type3A_320, %dot_general3A_321 {dimension_numbers = #tpu.dot_dimension_numbers<[1], [1], [0], [0], [0, 0, 1, 0], [], []>, transpose_lhs_hint = false} : vector<200x200xf32>, vector<1x200xf32>, vector<200x1xf32> -> vector<200x1xf32>
    %convert_element_type3A_323 = arith.sitofp %shift_right_arithmetic3A_316 : vector<1x200xi32> to vector<1x200xf32>
    %dot_general3A_324 = arith.constant dense<0.000000e+00> : vector<200x1xf32>
    %dot_general3A_325 = tpu.matmul %convert_element_type3A_17, %convert_element_type3A_323, %dot_general3A_324 {dimension_numbers = #tpu.dot_dimension_numbers<[1], [1], [0], [0], [0, 0, 1, 0], [], []>, transpose_lhs_hint = false} : vector<200x200xf32>, vector<1x200xf32>, vector<200x1xf32> -> vector<200x1xf32>
    %mul3A_326 = arith.constant 1.280000e+02 : f32
    %mul3A_327 = vector.broadcast %mul3A_326 : f32 to vector<200x1xf32>
    %mul3A_328 = arith.mulf %mul3A_327, %dot_general3A_322 : vector<200x1xf32>
    %add3A_329 = arith.addf %dot_general3A_319, %mul3A_328 : vector<200x1xf32>
    %mul3A_330 = arith.constant 1.638400e+04 : f32
    %mul3A_331 = vector.broadcast %mul3A_330 : f32 to vector<200x1xf32>
    %mul3A_332 = arith.mulf %mul3A_331, %dot_general3A_325 : vector<200x1xf32>
    %add3A_333 = arith.addf %add3A_329, %mul3A_332 : vector<200x1xf32>
    %convert_element_type3A_334 = arith.sitofp %get3A_304 : vector<1x200xi32> to vector<1x200xf32>
    %eq3A_335 = vector.broadcast %add3A_333 : vector<200x1xf32> to vector<200x200xf32>
    %eq3A_336 = vector.broadcast %convert_element_type3A_334 : vector<1x200xf32> to vector<200x200xf32>
    %eq3A_337 = arith.cmpf oeq, %eq3A_335, %eq3A_336 : vector<200x200xf32>
    %convert_element_type3A_338 = arith.extui %eq3A_337 : vector<200x200xi1> to vector<200x200xi32>
    %convert_element_type3A_339 = arith.sitofp %convert_element_type3A_338 : vector<200x200xi32> to vector<200x200xf32>
    %reduce_sum3A_340 = arith.constant dense<0.000000e+00> : vector<200xf32>
    %reduce_sum3A_341 = vector.multi_reduction <add>, %convert_element_type3A_339, %reduce_sum3A_340 [0] : vector<200x200xf32> to vector<200xf32>
    %broadcast_in_dim3A_342 = vector.shape_cast %reduce_sum3A_341 : vector<200xf32> to vector<1x200xf32>
    %div3A_343 = arith.constant 1.000000e+00 : f32
    %div3A_344 = vector.broadcast %div3A_343 : f32 to vector<1x200xf32>
    %div3A_345 = arith.divf %div3A_344, %broadcast_in_dim3A_342 : vector<1x200xf32>
    %reduce_sum3A_346 = vector.shape_cast %div3A_345 : vector<1x200xf32> to vector<1x1x200xf32>
    %reduce_sum3A_347 = arith.constant dense<0.000000e+00> : vector<1xf32>
    %reduce_sum3A_348 = vector.multi_reduction <add>, %reduce_sum3A_346, %reduce_sum3A_347 [1, 2] : vector<1x1x200xf32> to vector<1xf32>
    %reduce_sum3A_349 = vector.shape_cast %reduce_sum3A_348 : vector<1xf32> to vector<1x1x1xf32>
    %reduce_sum3A_350 = vector.extract %reduce_sum3A_349[0, 0, 0] : f32 from vector<1x1x1xf32>
    %sub3A_351 = arith.constant 2.000000e+02 : f32
    %sub3A_352 = arith.subf %sub3A_351, %reduce_sum3A_350 : f32
    %dot_general3A_353 = arith.constant dense<0.000000e+00> : vector<50x200xf32>
    %dot_general3A_354 = tpu.matmul %get3A_298, %get3A_301, %dot_general3A_353 {dimension_numbers = #tpu.dot_dimension_numbers<[1], [1], [0], [0], [0, 0, 1, 0], [], []>, transpose_lhs_hint = false} : vector<50x64xf32>, vector<200x64xf32>, vector<50x200xf32> -> vector<50x200xf32>
    %mul3A_355 = vector.broadcast %get3A_1 : vector<1x64xf32> to vector<50x64xf32>
    %mul3A_356 = arith.mulf %get3A_298, %mul3A_355 : vector<50x64xf32>
    %reduce_sum3A_357 = arith.constant dense<0.000000e+00> : vector<50xf32>
    %reduce_sum3A_358 = vector.multi_reduction <add>, %mul3A_356, %reduce_sum3A_357 [1] : vector<50x64xf32> to vector<50xf32>
    %broadcast_in_dim3A_359 = vector.shape_cast %reduce_sum3A_358 : vector<50xf32> to vector<50x1xf32>
    %reduce_max3A_360 = arith.constant dense<0xFF800000> : vector<50xf32>
    %reduce_max3A_361 = vector.multi_reduction <maximumf>, %dot_general3A_354, %reduce_max3A_360 [1] : vector<50x200xf32> to vector<50xf32>
    %broadcast_in_dim3A_362 = vector.shape_cast %reduce_max3A_361 : vector<50xf32> to vector<50x1xf32>
    %max3A_363 = arith.maximumf %broadcast_in_dim3A_362, %broadcast_in_dim3A_359 : vector<50x1xf32>
    %sub3A_364 = vector.broadcast %max3A_363 : vector<50x1xf32> to vector<50x200xf32>
    %sub3A_365 = arith.subf %dot_general3A_354, %sub3A_364 : vector<50x200xf32>
    %exp3A_366 = math.exp %sub3A_365 : vector<50x200xf32>
    %mul3A_367 = vector.broadcast %div3A_345 : vector<1x200xf32> to vector<50x200xf32>
    %mul3A_368 = arith.mulf %exp3A_366, %mul3A_367 : vector<50x200xf32>
    %reduce_sum3A_369 = arith.constant dense<0.000000e+00> : vector<50xf32>
    %reduce_sum3A_370 = vector.multi_reduction <add>, %mul3A_368, %reduce_sum3A_369 [1] : vector<50x200xf32> to vector<50xf32>
    %broadcast_in_dim3A_371 = vector.shape_cast %reduce_sum3A_370 : vector<50xf32> to vector<50x1xf32>
    %sub3A_372 = arith.subf %broadcast_in_dim3A_359, %max3A_363 : vector<50x1xf32>
    %exp3A_373 = math.exp %sub3A_372 : vector<50x1xf32>
    %mul3A_374 = vector.broadcast %sub3A_352 : f32 to vector<50x1xf32>
    %mul3A_375 = arith.mulf %mul3A_374, %exp3A_373 : vector<50x1xf32>
    %add3A_376 = arith.addf %broadcast_in_dim3A_371, %mul3A_375 : vector<50x1xf32>
    %log3A_377 = math.log %add3A_376 : vector<50x1xf32>
    %add3A_378 = arith.addf %max3A_363, %log3A_377 : vector<50x1xf32>
    %mul3A_379 = arith.mulf %dot_general3A_354, %convert_element_type3A_5 : vector<50x200xf32>
    %dot_general3A_380 = arith.constant dense<0.000000e+00> : vector<50x4xf32>
    %dot_general3A_381 = tpu.matmul %mul3A_379, %convert_element_type3A_12, %dot_general3A_380 {dimension_numbers = #tpu.dot_dimension_numbers<[1], [0], [0], [1], [0, 0, 1, 1], [], []>, transpose_lhs_hint = false} : vector<50x200xf32>, vector<200x4xf32>, vector<50x4xf32> -> vector<50x4xf32>
    %sub3A_382 = vector.broadcast %add3A_378 : vector<50x1xf32> to vector<50x4xf32>
    %sub3A_383 = arith.subf %dot_general3A_381, %sub3A_382 : vector<50x4xf32>
    %swap3A_384 = arith.constant 3 : index
    %swap3A_385 = arith.constant 0 : index
    %swap3A_386 = arith.constant 0 : index
    %swap3A_387 = vector.load %arg5[%swap3A_384, %swap3A_385, %swap3A_386] : memref<16x50x4xf32, #tpu.memory_space<vmem>>, vector<1x50x4xf32>
    %swap3A_388 = vector.shape_cast %swap3A_387 : vector<1x50x4xf32> to vector<50x4xf32>
    %swap3A_389 = vector.shape_cast %sub3A_383 : vector<50x4xf32> to vector<1x50x4xf32>
    tpu.vector_store %arg5[%swap3A_384, %swap3A_385, %swap3A_386], %swap3A_389 {strides = array<i32>} : memref<16x50x4xf32, #tpu.memory_space<vmem>>, vector<1x50x4xf32>,
    %get3A_390 = arith.constant 4 : index
    %get3A_391 = arith.constant 0 : index
    %get3A_392 = arith.constant 0 : index
    %get3A_393 = vector.load %arg1[%get3A_390, %get3A_391, %get3A_392] : memref<16x50x64xf32, #tpu.memory_space<vmem>>, vector<1x50x64xf32>
    %get3A_394 = vector.shape_cast %get3A_393 : vector<1x50x64xf32> to vector<50x64xf32>
    %get3A_395 = arith.constant 800 : index
    %get3A_396 = arith.constant 0 : index
    %get3A_397 = vector.load %arg2[%get3A_395, %get3A_396] : memref<3200x128xf32, #tpu.memory_space<vmem>>, vector<200x64xf32>
    %get3A_398 = arith.constant 4 : index
    %get3A_399 = arith.constant 0 : index
    %get3A_400 = vector.load %arg3[%get3A_398, %get3A_399] : memref<16x200xi32, #tpu.memory_space<vmem>>, vector<1x200xi32>
    %and3A_401 = arith.constant 127 : i32
    %and3A_402 = vector.broadcast %and3A_401 : i32 to vector<1x200xi32>
    %and3A_403 = arith.andi %get3A_400, %and3A_402 : vector<1x200xi32>
    %shift_right_arithmetic3A_404 = arith.constant 7 : i32
    %shift_right_arithmetic3A_405 = vector.broadcast %shift_right_arithmetic3A_404 : i32 to vector<1x200xi32>
    %shift_right_arithmetic3A_406 = arith.shrsi %get3A_400, %shift_right_arithmetic3A_405 : vector<1x200xi32>
    %and3A_407 = arith.constant 127 : i32
    %and3A_408 = vector.broadcast %and3A_407 : i32 to vector<1x200xi32>
    %and3A_409 = arith.andi %shift_right_arithmetic3A_406, %and3A_408 : vector<1x200xi32>
    %shift_right_arithmetic3A_410 = arith.constant 14 : i32
    %shift_right_arithmetic3A_411 = vector.broadcast %shift_right_arithmetic3A_410 : i32 to vector<1x200xi32>
    %shift_right_arithmetic3A_412 = arith.shrsi %get3A_400, %shift_right_arithmetic3A_411 : vector<1x200xi32>
    %convert_element_type3A_413 = arith.sitofp %and3A_403 : vector<1x200xi32> to vector<1x200xf32>
    %dot_general3A_414 = arith.constant dense<0.000000e+00> : vector<200x1xf32>
    %dot_general3A_415 = tpu.matmul %convert_element_type3A_17, %convert_element_type3A_413, %dot_general3A_414 {dimension_numbers = #tpu.dot_dimension_numbers<[1], [1], [0], [0], [0, 0, 1, 0], [], []>, transpose_lhs_hint = false} : vector<200x200xf32>, vector<1x200xf32>, vector<200x1xf32> -> vector<200x1xf32>
    %convert_element_type3A_416 = arith.sitofp %and3A_409 : vector<1x200xi32> to vector<1x200xf32>
    %dot_general3A_417 = arith.constant dense<0.000000e+00> : vector<200x1xf32>
    %dot_general3A_418 = tpu.matmul %convert_element_type3A_17, %convert_element_type3A_416, %dot_general3A_417 {dimension_numbers = #tpu.dot_dimension_numbers<[1], [1], [0], [0], [0, 0, 1, 0], [], []>, transpose_lhs_hint = false} : vector<200x200xf32>, vector<1x200xf32>, vector<200x1xf32> -> vector<200x1xf32>
    %convert_element_type3A_419 = arith.sitofp %shift_right_arithmetic3A_412 : vector<1x200xi32> to vector<1x200xf32>
    %dot_general3A_420 = arith.constant dense<0.000000e+00> : vector<200x1xf32>
    %dot_general3A_421 = tpu.matmul %convert_element_type3A_17, %convert_element_type3A_419, %dot_general3A_420 {dimension_numbers = #tpu.dot_dimension_numbers<[1], [1], [0], [0], [0, 0, 1, 0], [], []>, transpose_lhs_hint = false} : vector<200x200xf32>, vector<1x200xf32>, vector<200x1xf32> -> vector<200x1xf32>
    %mul3A_422 = arith.constant 1.280000e+02 : f32
    %mul3A_423 = vector.broadcast %mul3A_422 : f32 to vector<200x1xf32>
    %mul3A_424 = arith.mulf %mul3A_423, %dot_general3A_418 : vector<200x1xf32>
    %add3A_425 = arith.addf %dot_general3A_415, %mul3A_424 : vector<200x1xf32>
    %mul3A_426 = arith.constant 1.638400e+04 : f32
    %mul3A_427 = vector.broadcast %mul3A_426 : f32 to vector<200x1xf32>
    %mul3A_428 = arith.mulf %mul3A_427, %dot_general3A_421 : vector<200x1xf32>
    %add3A_429 = arith.addf %add3A_425, %mul3A_428 : vector<200x1xf32>
    %convert_element_type3A_430 = arith.sitofp %get3A_400 : vector<1x200xi32> to vector<1x200xf32>
    %eq3A_431 = vector.broadcast %add3A_429 : vector<200x1xf32> to vector<200x200xf32>
    %eq3A_432 = vector.broadcast %convert_element_type3A_430 : vector<1x200xf32> to vector<200x200xf32>
    %eq3A_433 = arith.cmpf oeq, %eq3A_431, %eq3A_432 : vector<200x200xf32>
    %convert_element_type3A_434 = arith.extui %eq3A_433 : vector<200x200xi1> to vector<200x200xi32>
    %convert_element_type3A_435 = arith.sitofp %convert_element_type3A_434 : vector<200x200xi32> to vector<200x200xf32>
    %reduce_sum3A_436 = arith.constant dense<0.000000e+00> : vector<200xf32>
    %reduce_sum3A_437 = vector.multi_reduction <add>, %convert_element_type3A_435, %reduce_sum3A_436 [0] : vector<200x200xf32> to vector<200xf32>
    %broadcast_in_dim3A_438 = vector.shape_cast %reduce_sum3A_437 : vector<200xf32> to vector<1x200xf32>
    %div3A_439 = arith.constant 1.000000e+00 : f32
    %div3A_440 = vector.broadcast %div3A_439 : f32 to vector<1x200xf32>
    %div3A_441 = arith.divf %div3A_440, %broadcast_in_dim3A_438 : vector<1x200xf32>
    %reduce_sum3A_442 = vector.shape_cast %div3A_441 : vector<1x200xf32> to vector<1x1x200xf32>
    %reduce_sum3A_443 = arith.constant dense<0.000000e+00> : vector<1xf32>
    %reduce_sum3A_444 = vector.multi_reduction <add>, %reduce_sum3A_442, %reduce_sum3A_443 [1, 2] : vector<1x1x200xf32> to vector<1xf32>
    %reduce_sum3A_445 = vector.shape_cast %reduce_sum3A_444 : vector<1xf32> to vector<1x1x1xf32>
    %reduce_sum3A_446 = vector.extract %reduce_sum3A_445[0, 0, 0] : f32 from vector<1x1x1xf32>
    %sub3A_447 = arith.constant 2.000000e+02 : f32
    %sub3A_448 = arith.subf %sub3A_447, %reduce_sum3A_446 : f32
    %dot_general3A_449 = arith.constant dense<0.000000e+00> : vector<50x200xf32>
    %dot_general3A_450 = tpu.matmul %get3A_394, %get3A_397, %dot_general3A_449 {dimension_numbers = #tpu.dot_dimension_numbers<[1], [1], [0], [0], [0, 0, 1, 0], [], []>, transpose_lhs_hint = false} : vector<50x64xf32>, vector<200x64xf32>, vector<50x200xf32> -> vector<50x200xf32>
    %mul3A_451 = vector.broadcast %get3A_1 : vector<1x64xf32> to vector<50x64xf32>
    %mul3A_452 = arith.mulf %get3A_394, %mul3A_451 : vector<50x64xf32>
    %reduce_sum3A_453 = arith.constant dense<0.000000e+00> : vector<50xf32>
    %reduce_sum3A_454 = vector.multi_reduction <add>, %mul3A_452, %reduce_sum3A_453 [1] : vector<50x64xf32> to vector<50xf32>
    %broadcast_in_dim3A_455 = vector.shape_cast %reduce_sum3A_454 : vector<50xf32> to vector<50x1xf32>
    %reduce_max3A_456 = arith.constant dense<0xFF800000> : vector<50xf32>
    %reduce_max3A_457 = vector.multi_reduction <maximumf>, %dot_general3A_450, %reduce_max3A_456 [1] : vector<50x200xf32> to vector<50xf32>
    %broadcast_in_dim3A_458 = vector.shape_cast %reduce_max3A_457 : vector<50xf32> to vector<50x1xf32>
    %max3A_459 = arith.maximumf %broadcast_in_dim3A_458, %broadcast_in_dim3A_455 : vector<50x1xf32>
    %sub3A_460 = vector.broadcast %max3A_459 : vector<50x1xf32> to vector<50x200xf32>
    %sub3A_461 = arith.subf %dot_general3A_450, %sub3A_460 : vector<50x200xf32>
    %exp3A_462 = math.exp %sub3A_461 : vector<50x200xf32>
    %mul3A_463 = vector.broadcast %div3A_441 : vector<1x200xf32> to vector<50x200xf32>
    %mul3A_464 = arith.mulf %exp3A_462, %mul3A_463 : vector<50x200xf32>
    %reduce_sum3A_465 = arith.constant dense<0.000000e+00> : vector<50xf32>
    %reduce_sum3A_466 = vector.multi_reduction <add>, %mul3A_464, %reduce_sum3A_465 [1] : vector<50x200xf32> to vector<50xf32>
    %broadcast_in_dim3A_467 = vector.shape_cast %reduce_sum3A_466 : vector<50xf32> to vector<50x1xf32>
    %sub3A_468 = arith.subf %broadcast_in_dim3A_455, %max3A_459 : vector<50x1xf32>
    %exp3A_469 = math.exp %sub3A_468 : vector<50x1xf32>
    %mul3A_470 = vector.broadcast %sub3A_448 : f32 to vector<50x1xf32>
    %mul3A_471 = arith.mulf %mul3A_470, %exp3A_469 : vector<50x1xf32>
    %add3A_472 = arith.addf %broadcast_in_dim3A_467, %mul3A_471 : vector<50x1xf32>
    %log3A_473 = math.log %add3A_472 : vector<50x1xf32>
    %add3A_474 = arith.addf %max3A_459, %log3A_473 : vector<50x1xf32>
    %mul3A_475 = arith.mulf %dot_general3A_450, %convert_element_type3A_5 : vector<50x200xf32>
    %dot_general3A_476 = arith.constant dense<0.000000e+00> : vector<50x4xf32>
    %dot_general3A_477 = tpu.matmul %mul3A_475, %convert_element_type3A_12, %dot_general3A_476 {dimension_numbers = #tpu.dot_dimension_numbers<[1], [0], [0], [1], [0, 0, 1, 1], [], []>, transpose_lhs_hint = false} : vector<50x200xf32>, vector<200x4xf32>, vector<50x4xf32> -> vector<50x4xf32>
    %sub3A_478 = vector.broadcast %add3A_474 : vector<50x1xf32> to vector<50x4xf32>
    %sub3A_479 = arith.subf %dot_general3A_477, %sub3A_478 : vector<50x4xf32>
    %swap3A_480 = arith.constant 4 : index
    %swap3A_481 = arith.constant 0 : index
    %swap3A_482 = arith.constant 0 : index
    %swap3A_483 = vector.load %arg5[%swap3A_480, %swap3A_481, %swap3A_482] : memref<16x50x4xf32, #tpu.memory_space<vmem>>, vector<1x50x4xf32>
    %swap3A_484 = vector.shape_cast %swap3A_483 : vector<1x50x4xf32> to vector<50x4xf32>
    %swap3A_485 = vector.shape_cast %sub3A_479 : vector<50x4xf32> to vector<1x50x4xf32>
    tpu.vector_store %arg5[%swap3A_480, %swap3A_481, %swap3A_482], %swap3A_485 {strides = array<i32>} : memref<16x50x4xf32, #tpu.memory_space<vmem>>, vector<1x50x4xf32>,
    %get3A_486 = arith.constant 5 : index
    %get3A_487 = arith.constant 0 : index
    %get3A_488 = arith.constant 0 : index
    %get3A_489 = vector.load %arg1[%get3A_486, %get3A_487, %get3A_488] : memref<16x50x64xf32, #tpu.memory_space<vmem>>, vector<1x50x64xf32>
    %get3A_490 = vector.shape_cast %get3A_489 : vector<1x50x64xf32> to vector<50x64xf32>
    %get3A_491 = arith.constant 1000 : index
    %get3A_492 = arith.constant 0 : index
    %get3A_493 = vector.load %arg2[%get3A_491, %get3A_492] : memref<3200x128xf32, #tpu.memory_space<vmem>>, vector<200x64xf32>
    %get3A_494 = arith.constant 5 : index
    %get3A_495 = arith.constant 0 : index
    %get3A_496 = vector.load %arg3[%get3A_494, %get3A_495] : memref<16x200xi32, #tpu.memory_space<vmem>>, vector<1x200xi32>
    %and3A_497 = arith.constant 127 : i32
    %and3A_498 = vector.broadcast %and3A_497 : i32 to vector<1x200xi32>
    %and3A_499 = arith.andi %get3A_496, %and3A_498 : vector<1x200xi32>
    %shift_right_arithmetic3A_500 = arith.constant 7 : i32
    %shift_right_arithmetic3A_501 = vector.broadcast %shift_right_arithmetic3A_500 : i32 to vector<1x200xi32>
    %shift_right_arithmetic3A_502 = arith.shrsi %get3A_496, %shift_right_arithmetic3A_501 : vector<1x200xi32>
    %and3A_503 = arith.constant 127 : i32
    %and3A_504 = vector.broadcast %and3A_503 : i32 to vector<1x200xi32>
    %and3A_505 = arith.andi %shift_right_arithmetic3A_502, %and3A_504 : vector<1x200xi32>
    %shift_right_arithmetic3A_506 = arith.constant 14 : i32
    %shift_right_arithmetic3A_507 = vector.broadcast %shift_right_arithmetic3A_506 : i32 to vector<1x200xi32>
    %shift_right_arithmetic3A_508 = arith.shrsi %get3A_496, %shift_right_arithmetic3A_507 : vector<1x200xi32>
    %convert_element_type3A_509 = arith.sitofp %and3A_499 : vector<1x200xi32> to vector<1x200xf32>
    %dot_general3A_510 = arith.constant dense<0.000000e+00> : vector<200x1xf32>
    %dot_general3A_511 = tpu.matmul %convert_element_type3A_17, %convert_element_type3A_509, %dot_general3A_510 {dimension_numbers = #tpu.dot_dimension_numbers<[1], [1], [0], [0], [0, 0, 1, 0], [], []>, transpose_lhs_hint = false} : vector<200x200xf32>, vector<1x200xf32>, vector<200x1xf32> -> vector<200x1xf32>
    %convert_element_type3A_512 = arith.sitofp %and3A_505 : vector<1x200xi32> to vector<1x200xf32>
    %dot_general3A_513 = arith.constant dense<0.000000e+00> : vector<200x1xf32>
    %dot_general3A_514 = tpu.matmul %convert_element_type3A_17, %convert_element_type3A_512, %dot_general3A_513 {dimension_numbers = #tpu.dot_dimension_numbers<[1], [1], [0], [0], [0, 0, 1, 0], [], []>, transpose_lhs_hint = false} : vector<200x200xf32>, vector<1x200xf32>, vector<200x1xf32> -> vector<200x1xf32>
    %convert_element_type3A_515 = arith.sitofp %shift_right_arithmetic3A_508 : vector<1x200xi32> to vector<1x200xf32>
    %dot_general3A_516 = arith.constant dense<0.000000e+00> : vector<200x1xf32>
    %dot_general3A_517 = tpu.matmul %convert_element_type3A_17, %convert_element_type3A_515, %dot_general3A_516 {dimension_numbers = #tpu.dot_dimension_numbers<[1], [1], [0], [0], [0, 0, 1, 0], [], []>, transpose_lhs_hint = false} : vector<200x200xf32>, vector<1x200xf32>, vector<200x1xf32> -> vector<200x1xf32>
    %mul3A_518 = arith.constant 1.280000e+02 : f32
    %mul3A_519 = vector.broadcast %mul3A_518 : f32 to vector<200x1xf32>
    %mul3A_520 = arith.mulf %mul3A_519, %dot_general3A_514 : vector<200x1xf32>
    %add3A_521 = arith.addf %dot_general3A_511, %mul3A_520 : vector<200x1xf32>
    %mul3A_522 = arith.constant 1.638400e+04 : f32
    %mul3A_523 = vector.broadcast %mul3A_522 : f32 to vector<200x1xf32>
    %mul3A_524 = arith.mulf %mul3A_523, %dot_general3A_517 : vector<200x1xf32>
    %add3A_525 = arith.addf %add3A_521, %mul3A_524 : vector<200x1xf32>
    %convert_element_type3A_526 = arith.sitofp %get3A_496 : vector<1x200xi32> to vector<1x200xf32>
    %eq3A_527 = vector.broadcast %add3A_525 : vector<200x1xf32> to vector<200x200xf32>
    %eq3A_528 = vector.broadcast %convert_element_type3A_526 : vector<1x200xf32> to vector<200x200xf32>
    %eq3A_529 = arith.cmpf oeq, %eq3A_527, %eq3A_528 : vector<200x200xf32>
    %convert_element_type3A_530 = arith.extui %eq3A_529 : vector<200x200xi1> to vector<200x200xi32>
    %convert_element_type3A_531 = arith.sitofp %convert_element_type3A_530 : vector<200x200xi32> to vector<200x200xf32>
    %reduce_sum3A_532 = arith.constant dense<0.000000e+00> : vector<200xf32>
    %reduce_sum3A_533 = vector.multi_reduction <add>, %convert_element_type3A_531, %reduce_sum3A_532 [0] : vector<200x200xf32> to vector<200xf32>
    %broadcast_in_dim3A_534 = vector.shape_cast %reduce_sum3A_533 : vector<200xf32> to vector<1x200xf32>
    %div3A_535 = arith.constant 1.000000e+00 : f32
    %div3A_536 = vector.broadcast %div3A_535 : f32 to vector<1x200xf32>
    %div3A_537 = arith.divf %div3A_536, %broadcast_in_dim3A_534 : vector<1x200xf32>
    %reduce_sum3A_538 = vector.shape_cast %div3A_537 : vector<1x200xf32> to vector<1x1x200xf32>
    %reduce_sum3A_539 = arith.constant dense<0.000000e+00> : vector<1xf32>
    %reduce_sum3A_540 = vector.multi_reduction <add>, %reduce_sum3A_538, %reduce_sum3A_539 [1, 2] : vector<1x1x200xf32> to vector<1xf32>
    %reduce_sum3A_541 = vector.shape_cast %reduce_sum3A_540 : vector<1xf32> to vector<1x1x1xf32>
    %reduce_sum3A_542 = vector.extract %reduce_sum3A_541[0, 0, 0] : f32 from vector<1x1x1xf32>
    %sub3A_543 = arith.constant 2.000000e+02 : f32
    %sub3A_544 = arith.subf %sub3A_543, %reduce_sum3A_542 : f32
    %dot_general3A_545 = arith.constant dense<0.000000e+00> : vector<50x200xf32>
    %dot_general3A_546 = tpu.matmul %get3A_490, %get3A_493, %dot_general3A_545 {dimension_numbers = #tpu.dot_dimension_numbers<[1], [1], [0], [0], [0, 0, 1, 0], [], []>, transpose_lhs_hint = false} : vector<50x64xf32>, vector<200x64xf32>, vector<50x200xf32> -> vector<50x200xf32>
    %mul3A_547 = vector.broadcast %get3A_1 : vector<1x64xf32> to vector<50x64xf32>
    %mul3A_548 = arith.mulf %get3A_490, %mul3A_547 : vector<50x64xf32>
    %reduce_sum3A_549 = arith.constant dense<0.000000e+00> : vector<50xf32>
    %reduce_sum3A_550 = vector.multi_reduction <add>, %mul3A_548, %reduce_sum3A_549 [1] : vector<50x64xf32> to vector<50xf32>
    %broadcast_in_dim3A_551 = vector.shape_cast %reduce_sum3A_550 : vector<50xf32> to vector<50x1xf32>
    %reduce_max3A_552 = arith.constant dense<0xFF800000> : vector<50xf32>
    %reduce_max3A_553 = vector.multi_reduction <maximumf>, %dot_general3A_546, %reduce_max3A_552 [1] : vector<50x200xf32> to vector<50xf32>
    %broadcast_in_dim3A_554 = vector.shape_cast %reduce_max3A_553 : vector<50xf32> to vector<50x1xf32>
    %max3A_555 = arith.maximumf %broadcast_in_dim3A_554, %broadcast_in_dim3A_551 : vector<50x1xf32>
    %sub3A_556 = vector.broadcast %max3A_555 : vector<50x1xf32> to vector<50x200xf32>
    %sub3A_557 = arith.subf %dot_general3A_546, %sub3A_556 : vector<50x200xf32>
    %exp3A_558 = math.exp %sub3A_557 : vector<50x200xf32>
    %mul3A_559 = vector.broadcast %div3A_537 : vector<1x200xf32> to vector<50x200xf32>
    %mul3A_560 = arith.mulf %exp3A_558, %mul3A_559 : vector<50x200xf32>
    %reduce_sum3A_561 = arith.constant dense<0.000000e+00> : vector<50xf32>
    %reduce_sum3A_562 = vector.multi_reduction <add>, %mul3A_560, %reduce_sum3A_561 [1] : vector<50x200xf32> to vector<50xf32>
    %broadcast_in_dim3A_563 = vector.shape_cast %reduce_sum3A_562 : vector<50xf32> to vector<50x1xf32>
    %sub3A_564 = arith.subf %broadcast_in_dim3A_551, %max3A_555 : vector<50x1xf32>
    %exp3A_565 = math.exp %sub3A_564 : vector<50x1xf32>
    %mul3A_566 = vector.broadcast %sub3A_544 : f32 to vector<50x1xf32>
    %mul3A_567 = arith.mulf %mul3A_566, %exp3A_565 : vector<50x1xf32>
    %add3A_568 = arith.addf %broadcast_in_dim3A_563, %mul3A_567 : vector<50x1xf32>
    %log3A_569 = math.log %add3A_568 : vector<50x1xf32>
    %add3A_570 = arith.addf %max3A_555, %log3A_569 : vector<50x1xf32>
    %mul3A_571 = arith.mulf %dot_general3A_546, %convert_element_type3A_5 : vector<50x200xf32>
    %dot_general3A_572 = arith.constant dense<0.000000e+00> : vector<50x4xf32>
    %dot_general3A_573 = tpu.matmul %mul3A_571, %convert_element_type3A_12, %dot_general3A_572 {dimension_numbers = #tpu.dot_dimension_numbers<[1], [0], [0], [1], [0, 0, 1, 1], [], []>, transpose_lhs_hint = false} : vector<50x200xf32>, vector<200x4xf32>, vector<50x4xf32> -> vector<50x4xf32>
    %sub3A_574 = vector.broadcast %add3A_570 : vector<50x1xf32> to vector<50x4xf32>
    %sub3A_575 = arith.subf %dot_general3A_573, %sub3A_574 : vector<50x4xf32>
    %swap3A_576 = arith.constant 5 : index
    %swap3A_577 = arith.constant 0 : index
    %swap3A_578 = arith.constant 0 : index
    %swap3A_579 = vector.load %arg5[%swap3A_576, %swap3A_577, %swap3A_578] : memref<16x50x4xf32, #tpu.memory_space<vmem>>, vector<1x50x4xf32>
    %swap3A_580 = vector.shape_cast %swap3A_579 : vector<1x50x4xf32> to vector<50x4xf32>
    %swap3A_581 = vector.shape_cast %sub3A_575 : vector<50x4xf32> to vector<1x50x4xf32>
    tpu.vector_store %arg5[%swap3A_576, %swap3A_577, %swap3A_578], %swap3A_581 {strides = array<i32>} : memref<16x50x4xf32, #tpu.memory_space<vmem>>, vector<1x50x4xf32>,
    %get3A_582 = arith.constant 6 : index
    %get3A_583 = arith.constant 0 : index
    %get3A_584 = arith.constant 0 : index
    %get3A_585 = vector.load %arg1[%get3A_582, %get3A_583, %get3A_584] : memref<16x50x64xf32, #tpu.memory_space<vmem>>, vector<1x50x64xf32>
    %get3A_586 = vector.shape_cast %get3A_585 : vector<1x50x64xf32> to vector<50x64xf32>
    %get3A_587 = arith.constant 1200 : index
    %get3A_588 = arith.constant 0 : index
    %get3A_589 = vector.load %arg2[%get3A_587, %get3A_588] : memref<3200x128xf32, #tpu.memory_space<vmem>>, vector<200x64xf32>
    %get3A_590 = arith.constant 6 : index
    %get3A_591 = arith.constant 0 : index
    %get3A_592 = vector.load %arg3[%get3A_590, %get3A_591] : memref<16x200xi32, #tpu.memory_space<vmem>>, vector<1x200xi32>
    %and3A_593 = arith.constant 127 : i32
    %and3A_594 = vector.broadcast %and3A_593 : i32 to vector<1x200xi32>
    %and3A_595 = arith.andi %get3A_592, %and3A_594 : vector<1x200xi32>
    %shift_right_arithmetic3A_596 = arith.constant 7 : i32
    %shift_right_arithmetic3A_597 = vector.broadcast %shift_right_arithmetic3A_596 : i32 to vector<1x200xi32>
    %shift_right_arithmetic3A_598 = arith.shrsi %get3A_592, %shift_right_arithmetic3A_597 : vector<1x200xi32>
    %and3A_599 = arith.constant 127 : i32
    %and3A_600 = vector.broadcast %and3A_599 : i32 to vector<1x200xi32>
    %and3A_601 = arith.andi %shift_right_arithmetic3A_598, %and3A_600 : vector<1x200xi32>
    %shift_right_arithmetic3A_602 = arith.constant 14 : i32
    %shift_right_arithmetic3A_603 = vector.broadcast %shift_right_arithmetic3A_602 : i32 to vector<1x200xi32>
    %shift_right_arithmetic3A_604 = arith.shrsi %get3A_592, %shift_right_arithmetic3A_603 : vector<1x200xi32>
    %convert_element_type3A_605 = arith.sitofp %and3A_595 : vector<1x200xi32> to vector<1x200xf32>
    %dot_general3A_606 = arith.constant dense<0.000000e+00> : vector<200x1xf32>
    %dot_general3A_607 = tpu.matmul %convert_element_type3A_17, %convert_element_type3A_605, %dot_general3A_606 {dimension_numbers = #tpu.dot_dimension_numbers<[1], [1], [0], [0], [0, 0, 1, 0], [], []>, transpose_lhs_hint = false} : vector<200x200xf32>, vector<1x200xf32>, vector<200x1xf32> -> vector<200x1xf32>
    %convert_element_type3A_608 = arith.sitofp %and3A_601 : vector<1x200xi32> to vector<1x200xf32>
    %dot_general3A_609 = arith.constant dense<0.000000e+00> : vector<200x1xf32>
    %dot_general3A_610 = tpu.matmul %convert_element_type3A_17, %convert_element_type3A_608, %dot_general3A_609 {dimension_numbers = #tpu.dot_dimension_numbers<[1], [1], [0], [0], [0, 0, 1, 0], [], []>, transpose_lhs_hint = false} : vector<200x200xf32>, vector<1x200xf32>, vector<200x1xf32> -> vector<200x1xf32>
    %convert_element_type3A_611 = arith.sitofp %shift_right_arithmetic3A_604 : vector<1x200xi32> to vector<1x200xf32>
    %dot_general3A_612 = arith.constant dense<0.000000e+00> : vector<200x1xf32>
    %dot_general3A_613 = tpu.matmul %convert_element_type3A_17, %convert_element_type3A_611, %dot_general3A_612 {dimension_numbers = #tpu.dot_dimension_numbers<[1], [1], [0], [0], [0, 0, 1, 0], [], []>, transpose_lhs_hint = false} : vector<200x200xf32>, vector<1x200xf32>, vector<200x1xf32> -> vector<200x1xf32>
    %mul3A_614 = arith.constant 1.280000e+02 : f32
    %mul3A_615 = vector.broadcast %mul3A_614 : f32 to vector<200x1xf32>
    %mul3A_616 = arith.mulf %mul3A_615, %dot_general3A_610 : vector<200x1xf32>
    %add3A_617 = arith.addf %dot_general3A_607, %mul3A_616 : vector<200x1xf32>
    %mul3A_618 = arith.constant 1.638400e+04 : f32
    %mul3A_619 = vector.broadcast %mul3A_618 : f32 to vector<200x1xf32>
    %mul3A_620 = arith.mulf %mul3A_619, %dot_general3A_613 : vector<200x1xf32>
    %add3A_621 = arith.addf %add3A_617, %mul3A_620 : vector<200x1xf32>
    %convert_element_type3A_622 = arith.sitofp %get3A_592 : vector<1x200xi32> to vector<1x200xf32>
    %eq3A_623 = vector.broadcast %add3A_621 : vector<200x1xf32> to vector<200x200xf32>
    %eq3A_624 = vector.broadcast %convert_element_type3A_622 : vector<1x200xf32> to vector<200x200xf32>
    %eq3A_625 = arith.cmpf oeq, %eq3A_623, %eq3A_624 : vector<200x200xf32>
    %convert_element_type3A_626 = arith.extui %eq3A_625 : vector<200x200xi1> to vector<200x200xi32>
    %convert_element_type3A_627 = arith.sitofp %convert_element_type3A_626 : vector<200x200xi32> to vector<200x200xf32>
    %reduce_sum3A_628 = arith.constant dense<0.000000e+00> : vector<200xf32>
    %reduce_sum3A_629 = vector.multi_reduction <add>, %convert_element_type3A_627, %reduce_sum3A_628 [0] : vector<200x200xf32> to vector<200xf32>
    %broadcast_in_dim3A_630 = vector.shape_cast %reduce_sum3A_629 : vector<200xf32> to vector<1x200xf32>
    %div3A_631 = arith.constant 1.000000e+00 : f32
    %div3A_632 = vector.broadcast %div3A_631 : f32 to vector<1x200xf32>
    %div3A_633 = arith.divf %div3A_632, %broadcast_in_dim3A_630 : vector<1x200xf32>
    %reduce_sum3A_634 = vector.shape_cast %div3A_633 : vector<1x200xf32> to vector<1x1x200xf32>
    %reduce_sum3A_635 = arith.constant dense<0.000000e+00> : vector<1xf32>
    %reduce_sum3A_636 = vector.multi_reduction <add>, %reduce_sum3A_634, %reduce_sum3A_635 [1, 2] : vector<1x1x200xf32> to vector<1xf32>
    %reduce_sum3A_637 = vector.shape_cast %reduce_sum3A_636 : vector<1xf32> to vector<1x1x1xf32>
    %reduce_sum3A_638 = vector.extract %reduce_sum3A_637[0, 0, 0] : f32 from vector<1x1x1xf32>
    %sub3A_639 = arith.constant 2.000000e+02 : f32
    %sub3A_640 = arith.subf %sub3A_639, %reduce_sum3A_638 : f32
    %dot_general3A_641 = arith.constant dense<0.000000e+00> : vector<50x200xf32>
    %dot_general3A_642 = tpu.matmul %get3A_586, %get3A_589, %dot_general3A_641 {dimension_numbers = #tpu.dot_dimension_numbers<[1], [1], [0], [0], [0, 0, 1, 0], [], []>, transpose_lhs_hint = false} : vector<50x64xf32>, vector<200x64xf32>, vector<50x200xf32> -> vector<50x200xf32>
    %mul3A_643 = vector.broadcast %get3A_1 : vector<1x64xf32> to vector<50x64xf32>
    %mul3A_644 = arith.mulf %get3A_586, %mul3A_643 : vector<50x64xf32>
    %reduce_sum3A_645 = arith.constant dense<0.000000e+00> : vector<50xf32>
    %reduce_sum3A_646 = vector.multi_reduction <add>, %mul3A_644, %reduce_sum3A_645 [1] : vector<50x64xf32> to vector<50xf32>
    %broadcast_in_dim3A_647 = vector.shape_cast %reduce_sum3A_646 : vector<50xf32> to vector<50x1xf32>
    %reduce_max3A_648 = arith.constant dense<0xFF800000> : vector<50xf32>
    %reduce_max3A_649 = vector.multi_reduction <maximumf>, %dot_general3A_642, %reduce_max3A_648 [1] : vector<50x200xf32> to vector<50xf32>
    %broadcast_in_dim3A_650 = vector.shape_cast %reduce_max3A_649 : vector<50xf32> to vector<50x1xf32>
    %max3A_651 = arith.maximumf %broadcast_in_dim3A_650, %broadcast_in_dim3A_647 : vector<50x1xf32>
    %sub3A_652 = vector.broadcast %max3A_651 : vector<50x1xf32> to vector<50x200xf32>
    %sub3A_653 = arith.subf %dot_general3A_642, %sub3A_652 : vector<50x200xf32>
    %exp3A_654 = math.exp %sub3A_653 : vector<50x200xf32>
    %mul3A_655 = vector.broadcast %div3A_633 : vector<1x200xf32> to vector<50x200xf32>
    %mul3A_656 = arith.mulf %exp3A_654, %mul3A_655 : vector<50x200xf32>
    %reduce_sum3A_657 = arith.constant dense<0.000000e+00> : vector<50xf32>
    %reduce_sum3A_658 = vector.multi_reduction <add>, %mul3A_656, %reduce_sum3A_657 [1] : vector<50x200xf32> to vector<50xf32>
    %broadcast_in_dim3A_659 = vector.shape_cast %reduce_sum3A_658 : vector<50xf32> to vector<50x1xf32>
    %sub3A_660 = arith.subf %broadcast_in_dim3A_647, %max3A_651 : vector<50x1xf32>
    %exp3A_661 = math.exp %sub3A_660 : vector<50x1xf32>
    %mul3A_662 = vector.broadcast %sub3A_640 : f32 to vector<50x1xf32>
    %mul3A_663 = arith.mulf %mul3A_662, %exp3A_661 : vector<50x1xf32>
    %add3A_664 = arith.addf %broadcast_in_dim3A_659, %mul3A_663 : vector<50x1xf32>
    %log3A_665 = math.log %add3A_664 : vector<50x1xf32>
    %add3A_666 = arith.addf %max3A_651, %log3A_665 : vector<50x1xf32>
    %mul3A_667 = arith.mulf %dot_general3A_642, %convert_element_type3A_5 : vector<50x200xf32>
    %dot_general3A_668 = arith.constant dense<0.000000e+00> : vector<50x4xf32>
    %dot_general3A_669 = tpu.matmul %mul3A_667, %convert_element_type3A_12, %dot_general3A_668 {dimension_numbers = #tpu.dot_dimension_numbers<[1], [0], [0], [1], [0, 0, 1, 1], [], []>, transpose_lhs_hint = false} : vector<50x200xf32>, vector<200x4xf32>, vector<50x4xf32> -> vector<50x4xf32>
    %sub3A_670 = vector.broadcast %add3A_666 : vector<50x1xf32> to vector<50x4xf32>
    %sub3A_671 = arith.subf %dot_general3A_669, %sub3A_670 : vector<50x4xf32>
    %swap3A_672 = arith.constant 6 : index
    %swap3A_673 = arith.constant 0 : index
    %swap3A_674 = arith.constant 0 : index
    %swap3A_675 = vector.load %arg5[%swap3A_672, %swap3A_673, %swap3A_674] : memref<16x50x4xf32, #tpu.memory_space<vmem>>, vector<1x50x4xf32>
    %swap3A_676 = vector.shape_cast %swap3A_675 : vector<1x50x4xf32> to vector<50x4xf32>
    %swap3A_677 = vector.shape_cast %sub3A_671 : vector<50x4xf32> to vector<1x50x4xf32>
    tpu.vector_store %arg5[%swap3A_672, %swap3A_673, %swap3A_674], %swap3A_677 {strides = array<i32>} : memref<16x50x4xf32, #tpu.memory_space<vmem>>, vector<1x50x4xf32>,
    %get3A_678 = arith.constant 7 : index
    %get3A_679 = arith.constant 0 : index
    %get3A_680 = arith.constant 0 : index
    %get3A_681 = vector.load %arg1[%get3A_678, %get3A_679, %get3A_680] : memref<16x50x64xf32, #tpu.memory_space<vmem>>, vector<1x50x64xf32>
    %get3A_682 = vector.shape_cast %get3A_681 : vector<1x50x64xf32> to vector<50x64xf32>
    %get3A_683 = arith.constant 1400 : index
    %get3A_684 = arith.constant 0 : index
    %get3A_685 = vector.load %arg2[%get3A_683, %get3A_684] : memref<3200x128xf32, #tpu.memory_space<vmem>>, vector<200x64xf32>
    %get3A_686 = arith.constant 7 : index
    %get3A_687 = arith.constant 0 : index
    %get3A_688 = vector.load %arg3[%get3A_686, %get3A_687] : memref<16x200xi32, #tpu.memory_space<vmem>>, vector<1x200xi32>
    %and3A_689 = arith.constant 127 : i32
    %and3A_690 = vector.broadcast %and3A_689 : i32 to vector<1x200xi32>
    %and3A_691 = arith.andi %get3A_688, %and3A_690 : vector<1x200xi32>
    %shift_right_arithmetic3A_692 = arith.constant 7 : i32
    %shift_right_arithmetic3A_693 = vector.broadcast %shift_right_arithmetic3A_692 : i32 to vector<1x200xi32>
    %shift_right_arithmetic3A_694 = arith.shrsi %get3A_688, %shift_right_arithmetic3A_693 : vector<1x200xi32>
    %and3A_695 = arith.constant 127 : i32
    %and3A_696 = vector.broadcast %and3A_695 : i32 to vector<1x200xi32>
    %and3A_697 = arith.andi %shift_right_arithmetic3A_694, %and3A_696 : vector<1x200xi32>
    %shift_right_arithmetic3A_698 = arith.constant 14 : i32
    %shift_right_arithmetic3A_699 = vector.broadcast %shift_right_arithmetic3A_698 : i32 to vector<1x200xi32>
    %shift_right_arithmetic3A_700 = arith.shrsi %get3A_688, %shift_right_arithmetic3A_699 : vector<1x200xi32>
    %convert_element_type3A_701 = arith.sitofp %and3A_691 : vector<1x200xi32> to vector<1x200xf32>
    %dot_general3A_702 = arith.constant dense<0.000000e+00> : vector<200x1xf32>
    %dot_general3A_703 = tpu.matmul %convert_element_type3A_17, %convert_element_type3A_701, %dot_general3A_702 {dimension_numbers = #tpu.dot_dimension_numbers<[1], [1], [0], [0], [0, 0, 1, 0], [], []>, transpose_lhs_hint = false} : vector<200x200xf32>, vector<1x200xf32>, vector<200x1xf32> -> vector<200x1xf32>
    %convert_element_type3A_704 = arith.sitofp %and3A_697 : vector<1x200xi32> to vector<1x200xf32>
    %dot_general3A_705 = arith.constant dense<0.000000e+00> : vector<200x1xf32>
    %dot_general3A_706 = tpu.matmul %convert_element_type3A_17, %convert_element_type3A_704, %dot_general3A_705 {dimension_numbers = #tpu.dot_dimension_numbers<[1], [1], [0], [0], [0, 0, 1, 0], [], []>, transpose_lhs_hint = false} : vector<200x200xf32>, vector<1x200xf32>, vector<200x1xf32> -> vector<200x1xf32>
    %convert_element_type3A_707 = arith.sitofp %shift_right_arithmetic3A_700 : vector<1x200xi32> to vector<1x200xf32>
    %dot_general3A_708 = arith.constant dense<0.000000e+00> : vector<200x1xf32>
    %dot_general3A_709 = tpu.matmul %convert_element_type3A_17, %convert_element_type3A_707, %dot_general3A_708 {dimension_numbers = #tpu.dot_dimension_numbers<[1], [1], [0], [0], [0, 0, 1, 0], [], []>, transpose_lhs_hint = false} : vector<200x200xf32>, vector<1x200xf32>, vector<200x1xf32> -> vector<200x1xf32>
    %mul3A_710 = arith.constant 1.280000e+02 : f32
    %mul3A_711 = vector.broadcast %mul3A_710 : f32 to vector<200x1xf32>
    %mul3A_712 = arith.mulf %mul3A_711, %dot_general3A_706 : vector<200x1xf32>
    %add3A_713 = arith.addf %dot_general3A_703, %mul3A_712 : vector<200x1xf32>
    %mul3A_714 = arith.constant 1.638400e+04 : f32
    %mul3A_715 = vector.broadcast %mul3A_714 : f32 to vector<200x1xf32>
    %mul3A_716 = arith.mulf %mul3A_715, %dot_general3A_709 : vector<200x1xf32>
    %add3A_717 = arith.addf %add3A_713, %mul3A_716 : vector<200x1xf32>
    %convert_element_type3A_718 = arith.sitofp %get3A_688 : vector<1x200xi32> to vector<1x200xf32>
    %eq3A_719 = vector.broadcast %add3A_717 : vector<200x1xf32> to vector<200x200xf32>
    %eq3A_720 = vector.broadcast %convert_element_type3A_718 : vector<1x200xf32> to vector<200x200xf32>
    %eq3A_721 = arith.cmpf oeq, %eq3A_719, %eq3A_720 : vector<200x200xf32>
    %convert_element_type3A_722 = arith.extui %eq3A_721 : vector<200x200xi1> to vector<200x200xi32>
    %convert_element_type3A_723 = arith.sitofp %convert_element_type3A_722 : vector<200x200xi32> to vector<200x200xf32>
    %reduce_sum3A_724 = arith.constant dense<0.000000e+00> : vector<200xf32>
    %reduce_sum3A_725 = vector.multi_reduction <add>, %convert_element_type3A_723, %reduce_sum3A_724 [0] : vector<200x200xf32> to vector<200xf32>
    %broadcast_in_dim3A_726 = vector.shape_cast %reduce_sum3A_725 : vector<200xf32> to vector<1x200xf32>
    %div3A_727 = arith.constant 1.000000e+00 : f32
    %div3A_728 = vector.broadcast %div3A_727 : f32 to vector<1x200xf32>
    %div3A_729 = arith.divf %div3A_728, %broadcast_in_dim3A_726 : vector<1x200xf32>
    %reduce_sum3A_730 = vector.shape_cast %div3A_729 : vector<1x200xf32> to vector<1x1x200xf32>
    %reduce_sum3A_731 = arith.constant dense<0.000000e+00> : vector<1xf32>
    %reduce_sum3A_732 = vector.multi_reduction <add>, %reduce_sum3A_730, %reduce_sum3A_731 [1, 2] : vector<1x1x200xf32> to vector<1xf32>
    %reduce_sum3A_733 = vector.shape_cast %reduce_sum3A_732 : vector<1xf32> to vector<1x1x1xf32>
    %reduce_sum3A_734 = vector.extract %reduce_sum3A_733[0, 0, 0] : f32 from vector<1x1x1xf32>
    %sub3A_735 = arith.constant 2.000000e+02 : f32
    %sub3A_736 = arith.subf %sub3A_735, %reduce_sum3A_734 : f32
    %dot_general3A_737 = arith.constant dense<0.000000e+00> : vector<50x200xf32>
    %dot_general3A_738 = tpu.matmul %get3A_682, %get3A_685, %dot_general3A_737 {dimension_numbers = #tpu.dot_dimension_numbers<[1], [1], [0], [0], [0, 0, 1, 0], [], []>, transpose_lhs_hint = false} : vector<50x64xf32>, vector<200x64xf32>, vector<50x200xf32> -> vector<50x200xf32>
    %mul3A_739 = vector.broadcast %get3A_1 : vector<1x64xf32> to vector<50x64xf32>
    %mul3A_740 = arith.mulf %get3A_682, %mul3A_739 : vector<50x64xf32>
    %reduce_sum3A_741 = arith.constant dense<0.000000e+00> : vector<50xf32>
    %reduce_sum3A_742 = vector.multi_reduction <add>, %mul3A_740, %reduce_sum3A_741 [1] : vector<50x64xf32> to vector<50xf32>
    %broadcast_in_dim3A_743 = vector.shape_cast %reduce_sum3A_742 : vector<50xf32> to vector<50x1xf32>
    %reduce_max3A_744 = arith.constant dense<0xFF800000> : vector<50xf32>
    %reduce_max3A_745 = vector.multi_reduction <maximumf>, %dot_general3A_738, %reduce_max3A_744 [1] : vector<50x200xf32> to vector<50xf32>
    %broadcast_in_dim3A_746 = vector.shape_cast %reduce_max3A_745 : vector<50xf32> to vector<50x1xf32>
    %max3A_747 = arith.maximumf %broadcast_in_dim3A_746, %broadcast_in_dim3A_743 : vector<50x1xf32>
    %sub3A_748 = vector.broadcast %max3A_747 : vector<50x1xf32> to vector<50x200xf32>
    %sub3A_749 = arith.subf %dot_general3A_738, %sub3A_748 : vector<50x200xf32>
    %exp3A_750 = math.exp %sub3A_749 : vector<50x200xf32>
    %mul3A_751 = vector.broadcast %div3A_729 : vector<1x200xf32> to vector<50x200xf32>
    %mul3A_752 = arith.mulf %exp3A_750, %mul3A_751 : vector<50x200xf32>
    %reduce_sum3A_753 = arith.constant dense<0.000000e+00> : vector<50xf32>
    %reduce_sum3A_754 = vector.multi_reduction <add>, %mul3A_752, %reduce_sum3A_753 [1] : vector<50x200xf32> to vector<50xf32>
    %broadcast_in_dim3A_755 = vector.shape_cast %reduce_sum3A_754 : vector<50xf32> to vector<50x1xf32>
    %sub3A_756 = arith.subf %broadcast_in_dim3A_743, %max3A_747 : vector<50x1xf32>
    %exp3A_757 = math.exp %sub3A_756 : vector<50x1xf32>
    %mul3A_758 = vector.broadcast %sub3A_736 : f32 to vector<50x1xf32>
    %mul3A_759 = arith.mulf %mul3A_758, %exp3A_757 : vector<50x1xf32>
    %add3A_760 = arith.addf %broadcast_in_dim3A_755, %mul3A_759 : vector<50x1xf32>
    %log3A_761 = math.log %add3A_760 : vector<50x1xf32>
    %add3A_762 = arith.addf %max3A_747, %log3A_761 : vector<50x1xf32>
    %mul3A_763 = arith.mulf %dot_general3A_738, %convert_element_type3A_5 : vector<50x200xf32>
    %dot_general3A_764 = arith.constant dense<0.000000e+00> : vector<50x4xf32>
    %dot_general3A_765 = tpu.matmul %mul3A_763, %convert_element_type3A_12, %dot_general3A_764 {dimension_numbers = #tpu.dot_dimension_numbers<[1], [0], [0], [1], [0, 0, 1, 1], [], []>, transpose_lhs_hint = false} : vector<50x200xf32>, vector<200x4xf32>, vector<50x4xf32> -> vector<50x4xf32>
    %sub3A_766 = vector.broadcast %add3A_762 : vector<50x1xf32> to vector<50x4xf32>
    %sub3A_767 = arith.subf %dot_general3A_765, %sub3A_766 : vector<50x4xf32>
    %swap3A_768 = arith.constant 7 : index
    %swap3A_769 = arith.constant 0 : index
    %swap3A_770 = arith.constant 0 : index
    %swap3A_771 = vector.load %arg5[%swap3A_768, %swap3A_769, %swap3A_770] : memref<16x50x4xf32, #tpu.memory_space<vmem>>, vector<1x50x4xf32>
    %swap3A_772 = vector.shape_cast %swap3A_771 : vector<1x50x4xf32> to vector<50x4xf32>
    %swap3A_773 = vector.shape_cast %sub3A_767 : vector<50x4xf32> to vector<1x50x4xf32>
    tpu.vector_store %arg5[%swap3A_768, %swap3A_769, %swap3A_770], %swap3A_773 {strides = array<i32>} : memref<16x50x4xf32, #tpu.memory_space<vmem>>, vector<1x50x4xf32>,
    %get3A_774 = arith.constant 8 : index
    %get3A_775 = arith.constant 0 : index
    %get3A_776 = arith.constant 0 : index
    %get3A_777 = vector.load %arg1[%get3A_774, %get3A_775, %get3A_776] : memref<16x50x64xf32, #tpu.memory_space<vmem>>, vector<1x50x64xf32>
    %get3A_778 = vector.shape_cast %get3A_777 : vector<1x50x64xf32> to vector<50x64xf32>
    %get3A_779 = arith.constant 1600 : index
    %get3A_780 = arith.constant 0 : index
    %get3A_781 = vector.load %arg2[%get3A_779, %get3A_780] : memref<3200x128xf32, #tpu.memory_space<vmem>>, vector<200x64xf32>
    %get3A_782 = arith.constant 8 : index
    %get3A_783 = arith.constant 0 : index
    %get3A_784 = vector.load %arg3[%get3A_782, %get3A_783] : memref<16x200xi32, #tpu.memory_space<vmem>>, vector<1x200xi32>
    %and3A_785 = arith.constant 127 : i32
    %and3A_786 = vector.broadcast %and3A_785 : i32 to vector<1x200xi32>
    %and3A_787 = arith.andi %get3A_784, %and3A_786 : vector<1x200xi32>
    %shift_right_arithmetic3A_788 = arith.constant 7 : i32
    %shift_right_arithmetic3A_789 = vector.broadcast %shift_right_arithmetic3A_788 : i32 to vector<1x200xi32>
    %shift_right_arithmetic3A_790 = arith.shrsi %get3A_784, %shift_right_arithmetic3A_789 : vector<1x200xi32>
    %and3A_791 = arith.constant 127 : i32
    %and3A_792 = vector.broadcast %and3A_791 : i32 to vector<1x200xi32>
    %and3A_793 = arith.andi %shift_right_arithmetic3A_790, %and3A_792 : vector<1x200xi32>
    %shift_right_arithmetic3A_794 = arith.constant 14 : i32
    %shift_right_arithmetic3A_795 = vector.broadcast %shift_right_arithmetic3A_794 : i32 to vector<1x200xi32>
    %shift_right_arithmetic3A_796 = arith.shrsi %get3A_784, %shift_right_arithmetic3A_795 : vector<1x200xi32>
    %convert_element_type3A_797 = arith.sitofp %and3A_787 : vector<1x200xi32> to vector<1x200xf32>
    %dot_general3A_798 = arith.constant dense<0.000000e+00> : vector<200x1xf32>
    %dot_general3A_799 = tpu.matmul %convert_element_type3A_17, %convert_element_type3A_797, %dot_general3A_798 {dimension_numbers = #tpu.dot_dimension_numbers<[1], [1], [0], [0], [0, 0, 1, 0], [], []>, transpose_lhs_hint = false} : vector<200x200xf32>, vector<1x200xf32>, vector<200x1xf32> -> vector<200x1xf32>
    %convert_element_type3A_800 = arith.sitofp %and3A_793 : vector<1x200xi32> to vector<1x200xf32>
    %dot_general3A_801 = arith.constant dense<0.000000e+00> : vector<200x1xf32>
    %dot_general3A_802 = tpu.matmul %convert_element_type3A_17, %convert_element_type3A_800, %dot_general3A_801 {dimension_numbers = #tpu.dot_dimension_numbers<[1], [1], [0], [0], [0, 0, 1, 0], [], []>, transpose_lhs_hint = false} : vector<200x200xf32>, vector<1x200xf32>, vector<200x1xf32> -> vector<200x1xf32>
    %convert_element_type3A_803 = arith.sitofp %shift_right_arithmetic3A_796 : vector<1x200xi32> to vector<1x200xf32>
    %dot_general3A_804 = arith.constant dense<0.000000e+00> : vector<200x1xf32>
    %dot_general3A_805 = tpu.matmul %convert_element_type3A_17, %convert_element_type3A_803, %dot_general3A_804 {dimension_numbers = #tpu.dot_dimension_numbers<[1], [1], [0], [0], [0, 0, 1, 0], [], []>, transpose_lhs_hint = false} : vector<200x200xf32>, vector<1x200xf32>, vector<200x1xf32> -> vector<200x1xf32>
    %mul3A_806 = arith.constant 1.280000e+02 : f32
    %mul3A_807 = vector.broadcast %mul3A_806 : f32 to vector<200x1xf32>
    %mul3A_808 = arith.mulf %mul3A_807, %dot_general3A_802 : vector<200x1xf32>
    %add3A_809 = arith.addf %dot_general3A_799, %mul3A_808 : vector<200x1xf32>
    %mul3A_810 = arith.constant 1.638400e+04 : f32
    %mul3A_811 = vector.broadcast %mul3A_810 : f32 to vector<200x1xf32>
    %mul3A_812 = arith.mulf %mul3A_811, %dot_general3A_805 : vector<200x1xf32>
    %add3A_813 = arith.addf %add3A_809, %mul3A_812 : vector<200x1xf32>
    %convert_element_type3A_814 = arith.sitofp %get3A_784 : vector<1x200xi32> to vector<1x200xf32>
    %eq3A_815 = vector.broadcast %add3A_813 : vector<200x1xf32> to vector<200x200xf32>
    %eq3A_816 = vector.broadcast %convert_element_type3A_814 : vector<1x200xf32> to vector<200x200xf32>
    %eq3A_817 = arith.cmpf oeq, %eq3A_815, %eq3A_816 : vector<200x200xf32>
    %convert_element_type3A_818 = arith.extui %eq3A_817 : vector<200x200xi1> to vector<200x200xi32>
    %convert_element_type3A_819 = arith.sitofp %convert_element_type3A_818 : vector<200x200xi32> to vector<200x200xf32>
    %reduce_sum3A_820 = arith.constant dense<0.000000e+00> : vector<200xf32>
    %reduce_sum3A_821 = vector.multi_reduction <add>, %convert_element_type3A_819, %reduce_sum3A_820 [0] : vector<200x200xf32> to vector<200xf32>
    %broadcast_in_dim3A_822 = vector.shape_cast %reduce_sum3A_821 : vector<200xf32> to vector<1x200xf32>
    %div3A_823 = arith.constant 1.000000e+00 : f32
    %div3A_824 = vector.broadcast %div3A_823 : f32 to vector<1x200xf32>
    %div3A_825 = arith.divf %div3A_824, %broadcast_in_dim3A_822 : vector<1x200xf32>
    %reduce_sum3A_826 = vector.shape_cast %div3A_825 : vector<1x200xf32> to vector<1x1x200xf32>
    %reduce_sum3A_827 = arith.constant dense<0.000000e+00> : vector<1xf32>
    %reduce_sum3A_828 = vector.multi_reduction <add>, %reduce_sum3A_826, %reduce_sum3A_827 [1, 2] : vector<1x1x200xf32> to vector<1xf32>
    %reduce_sum3A_829 = vector.shape_cast %reduce_sum3A_828 : vector<1xf32> to vector<1x1x1xf32>
    %reduce_sum3A_830 = vector.extract %reduce_sum3A_829[0, 0, 0] : f32 from vector<1x1x1xf32>
    %sub3A_831 = arith.constant 2.000000e+02 : f32
    %sub3A_832 = arith.subf %sub3A_831, %reduce_sum3A_830 : f32
    %dot_general3A_833 = arith.constant dense<0.000000e+00> : vector<50x200xf32>
    %dot_general3A_834 = tpu.matmul %get3A_778, %get3A_781, %dot_general3A_833 {dimension_numbers = #tpu.dot_dimension_numbers<[1], [1], [0], [0], [0, 0, 1, 0], [], []>, transpose_lhs_hint = false} : vector<50x64xf32>, vector<200x64xf32>, vector<50x200xf32> -> vector<50x200xf32>
    %mul3A_835 = vector.broadcast %get3A_1 : vector<1x64xf32> to vector<50x64xf32>
    %mul3A_836 = arith.mulf %get3A_778, %mul3A_835 : vector<50x64xf32>
    %reduce_sum3A_837 = arith.constant dense<0.000000e+00> : vector<50xf32>
    %reduce_sum3A_838 = vector.multi_reduction <add>, %mul3A_836, %reduce_sum3A_837 [1] : vector<50x64xf32> to vector<50xf32>
    %broadcast_in_dim3A_839 = vector.shape_cast %reduce_sum3A_838 : vector<50xf32> to vector<50x1xf32>
    %reduce_max3A_840 = arith.constant dense<0xFF800000> : vector<50xf32>
    %reduce_max3A_841 = vector.multi_reduction <maximumf>, %dot_general3A_834, %reduce_max3A_840 [1] : vector<50x200xf32> to vector<50xf32>
    %broadcast_in_dim3A_842 = vector.shape_cast %reduce_max3A_841 : vector<50xf32> to vector<50x1xf32>
    %max3A_843 = arith.maximumf %broadcast_in_dim3A_842, %broadcast_in_dim3A_839 : vector<50x1xf32>
    %sub3A_844 = vector.broadcast %max3A_843 : vector<50x1xf32> to vector<50x200xf32>
    %sub3A_845 = arith.subf %dot_general3A_834, %sub3A_844 : vector<50x200xf32>
    %exp3A_846 = math.exp %sub3A_845 : vector<50x200xf32>
    %mul3A_847 = vector.broadcast %div3A_825 : vector<1x200xf32> to vector<50x200xf32>
    %mul3A_848 = arith.mulf %exp3A_846, %mul3A_847 : vector<50x200xf32>
    %reduce_sum3A_849 = arith.constant dense<0.000000e+00> : vector<50xf32>
    %reduce_sum3A_850 = vector.multi_reduction <add>, %mul3A_848, %reduce_sum3A_849 [1] : vector<50x200xf32> to vector<50xf32>
    %broadcast_in_dim3A_851 = vector.shape_cast %reduce_sum3A_850 : vector<50xf32> to vector<50x1xf32>
    %sub3A_852 = arith.subf %broadcast_in_dim3A_839, %max3A_843 : vector<50x1xf32>
    %exp3A_853 = math.exp %sub3A_852 : vector<50x1xf32>
    %mul3A_854 = vector.broadcast %sub3A_832 : f32 to vector<50x1xf32>
    %mul3A_855 = arith.mulf %mul3A_854, %exp3A_853 : vector<50x1xf32>
    %add3A_856 = arith.addf %broadcast_in_dim3A_851, %mul3A_855 : vector<50x1xf32>
    %log3A_857 = math.log %add3A_856 : vector<50x1xf32>
    %add3A_858 = arith.addf %max3A_843, %log3A_857 : vector<50x1xf32>
    %mul3A_859 = arith.mulf %dot_general3A_834, %convert_element_type3A_5 : vector<50x200xf32>
    %dot_general3A_860 = arith.constant dense<0.000000e+00> : vector<50x4xf32>
    %dot_general3A_861 = tpu.matmul %mul3A_859, %convert_element_type3A_12, %dot_general3A_860 {dimension_numbers = #tpu.dot_dimension_numbers<[1], [0], [0], [1], [0, 0, 1, 1], [], []>, transpose_lhs_hint = false} : vector<50x200xf32>, vector<200x4xf32>, vector<50x4xf32> -> vector<50x4xf32>
    %sub3A_862 = vector.broadcast %add3A_858 : vector<50x1xf32> to vector<50x4xf32>
    %sub3A_863 = arith.subf %dot_general3A_861, %sub3A_862 : vector<50x4xf32>
    %swap3A_864 = arith.constant 8 : index
    %swap3A_865 = arith.constant 0 : index
    %swap3A_866 = arith.constant 0 : index
    %swap3A_867 = vector.load %arg5[%swap3A_864, %swap3A_865, %swap3A_866] : memref<16x50x4xf32, #tpu.memory_space<vmem>>, vector<1x50x4xf32>
    %swap3A_868 = vector.shape_cast %swap3A_867 : vector<1x50x4xf32> to vector<50x4xf32>
    %swap3A_869 = vector.shape_cast %sub3A_863 : vector<50x4xf32> to vector<1x50x4xf32>
    tpu.vector_store %arg5[%swap3A_864, %swap3A_865, %swap3A_866], %swap3A_869 {strides = array<i32>} : memref<16x50x4xf32, #tpu.memory_space<vmem>>, vector<1x50x4xf32>,
    %get3A_870 = arith.constant 9 : index
    %get3A_871 = arith.constant 0 : index
    %get3A_872 = arith.constant 0 : index
    %get3A_873 = vector.load %arg1[%get3A_870, %get3A_871, %get3A_872] : memref<16x50x64xf32, #tpu.memory_space<vmem>>, vector<1x50x64xf32>
    %get3A_874 = vector.shape_cast %get3A_873 : vector<1x50x64xf32> to vector<50x64xf32>
    %get3A_875 = arith.constant 1800 : index
    %get3A_876 = arith.constant 0 : index
    %get3A_877 = vector.load %arg2[%get3A_875, %get3A_876] : memref<3200x128xf32, #tpu.memory_space<vmem>>, vector<200x64xf32>
    %get3A_878 = arith.constant 9 : index
    %get3A_879 = arith.constant 0 : index
    %get3A_880 = vector.load %arg3[%get3A_878, %get3A_879] : memref<16x200xi32, #tpu.memory_space<vmem>>, vector<1x200xi32>
    %and3A_881 = arith.constant 127 : i32
    %and3A_882 = vector.broadcast %and3A_881 : i32 to vector<1x200xi32>
    %and3A_883 = arith.andi %get3A_880, %and3A_882 : vector<1x200xi32>
    %shift_right_arithmetic3A_884 = arith.constant 7 : i32
    %shift_right_arithmetic3A_885 = vector.broadcast %shift_right_arithmetic3A_884 : i32 to vector<1x200xi32>
    %shift_right_arithmetic3A_886 = arith.shrsi %get3A_880, %shift_right_arithmetic3A_885 : vector<1x200xi32>
    %and3A_887 = arith.constant 127 : i32
    %and3A_888 = vector.broadcast %and3A_887 : i32 to vector<1x200xi32>
    %and3A_889 = arith.andi %shift_right_arithmetic3A_886, %and3A_888 : vector<1x200xi32>
    %shift_right_arithmetic3A_890 = arith.constant 14 : i32
    %shift_right_arithmetic3A_891 = vector.broadcast %shift_right_arithmetic3A_890 : i32 to vector<1x200xi32>
    %shift_right_arithmetic3A_892 = arith.shrsi %get3A_880, %shift_right_arithmetic3A_891 : vector<1x200xi32>
    %convert_element_type3A_893 = arith.sitofp %and3A_883 : vector<1x200xi32> to vector<1x200xf32>
    %dot_general3A_894 = arith.constant dense<0.000000e+00> : vector<200x1xf32>
    %dot_general3A_895 = tpu.matmul %convert_element_type3A_17, %convert_element_type3A_893, %dot_general3A_894 {dimension_numbers = #tpu.dot_dimension_numbers<[1], [1], [0], [0], [0, 0, 1, 0], [], []>, transpose_lhs_hint = false} : vector<200x200xf32>, vector<1x200xf32>, vector<200x1xf32> -> vector<200x1xf32>
    %convert_element_type3A_896 = arith.sitofp %and3A_889 : vector<1x200xi32> to vector<1x200xf32>
    %dot_general3A_897 = arith.constant dense<0.000000e+00> : vector<200x1xf32>
    %dot_general3A_898 = tpu.matmul %convert_element_type3A_17, %convert_element_type3A_896, %dot_general3A_897 {dimension_numbers = #tpu.dot_dimension_numbers<[1], [1], [0], [0], [0, 0, 1, 0], [], []>, transpose_lhs_hint = false} : vector<200x200xf32>, vector<1x200xf32>, vector<200x1xf32> -> vector<200x1xf32>
    %convert_element_type3A_899 = arith.sitofp %shift_right_arithmetic3A_892 : vector<1x200xi32> to vector<1x200xf32>
    %dot_general3A_900 = arith.constant dense<0.000000e+00> : vector<200x1xf32>
    %dot_general3A_901 = tpu.matmul %convert_element_type3A_17, %convert_element_type3A_899, %dot_general3A_900 {dimension_numbers = #tpu.dot_dimension_numbers<[1], [1], [0], [0], [0, 0, 1, 0], [], []>, transpose_lhs_hint = false} : vector<200x200xf32>, vector<1x200xf32>, vector<200x1xf32> -> vector<200x1xf32>
    %mul3A_902 = arith.constant 1.280000e+02 : f32
    %mul3A_903 = vector.broadcast %mul3A_902 : f32 to vector<200x1xf32>
    %mul3A_904 = arith.mulf %mul3A_903, %dot_general3A_898 : vector<200x1xf32>
    %add3A_905 = arith.addf %dot_general3A_895, %mul3A_904 : vector<200x1xf32>
    %mul3A_906 = arith.constant 1.638400e+04 : f32
    %mul3A_907 = vector.broadcast %mul3A_906 : f32 to vector<200x1xf32>
    %mul3A_908 = arith.mulf %mul3A_907, %dot_general3A_901 : vector<200x1xf32>
    %add3A_909 = arith.addf %add3A_905, %mul3A_908 : vector<200x1xf32>
    %convert_element_type3A_910 = arith.sitofp %get3A_880 : vector<1x200xi32> to vector<1x200xf32>
    %eq3A_911 = vector.broadcast %add3A_909 : vector<200x1xf32> to vector<200x200xf32>
    %eq3A_912 = vector.broadcast %convert_element_type3A_910 : vector<1x200xf32> to vector<200x200xf32>
    %eq3A_913 = arith.cmpf oeq, %eq3A_911, %eq3A_912 : vector<200x200xf32>
    %convert_element_type3A_914 = arith.extui %eq3A_913 : vector<200x200xi1> to vector<200x200xi32>
    %convert_element_type3A_915 = arith.sitofp %convert_element_type3A_914 : vector<200x200xi32> to vector<200x200xf32>
    %reduce_sum3A_916 = arith.constant dense<0.000000e+00> : vector<200xf32>
    %reduce_sum3A_917 = vector.multi_reduction <add>, %convert_element_type3A_915, %reduce_sum3A_916 [0] : vector<200x200xf32> to vector<200xf32>
    %broadcast_in_dim3A_918 = vector.shape_cast %reduce_sum3A_917 : vector<200xf32> to vector<1x200xf32>
    %div3A_919 = arith.constant 1.000000e+00 : f32
    %div3A_920 = vector.broadcast %div3A_919 : f32 to vector<1x200xf32>
    %div3A_921 = arith.divf %div3A_920, %broadcast_in_dim3A_918 : vector<1x200xf32>
    %reduce_sum3A_922 = vector.shape_cast %div3A_921 : vector<1x200xf32> to vector<1x1x200xf32>
    %reduce_sum3A_923 = arith.constant dense<0.000000e+00> : vector<1xf32>
    %reduce_sum3A_924 = vector.multi_reduction <add>, %reduce_sum3A_922, %reduce_sum3A_923 [1, 2] : vector<1x1x200xf32> to vector<1xf32>
    %reduce_sum3A_925 = vector.shape_cast %reduce_sum3A_924 : vector<1xf32> to vector<1x1x1xf32>
    %reduce_sum3A_926 = vector.extract %reduce_sum3A_925[0, 0, 0] : f32 from vector<1x1x1xf32>
    %sub3A_927 = arith.constant 2.000000e+02 : f32
    %sub3A_928 = arith.subf %sub3A_927, %reduce_sum3A_926 : f32
    %dot_general3A_929 = arith.constant dense<0.000000e+00> : vector<50x200xf32>
    %dot_general3A_930 = tpu.matmul %get3A_874, %get3A_877, %dot_general3A_929 {dimension_numbers = #tpu.dot_dimension_numbers<[1], [1], [0], [0], [0, 0, 1, 0], [], []>, transpose_lhs_hint = false} : vector<50x64xf32>, vector<200x64xf32>, vector<50x200xf32> -> vector<50x200xf32>
    %mul3A_931 = vector.broadcast %get3A_1 : vector<1x64xf32> to vector<50x64xf32>
    %mul3A_932 = arith.mulf %get3A_874, %mul3A_931 : vector<50x64xf32>
    %reduce_sum3A_933 = arith.constant dense<0.000000e+00> : vector<50xf32>
    %reduce_sum3A_934 = vector.multi_reduction <add>, %mul3A_932, %reduce_sum3A_933 [1] : vector<50x64xf32> to vector<50xf32>
    %broadcast_in_dim3A_935 = vector.shape_cast %reduce_sum3A_934 : vector<50xf32> to vector<50x1xf32>
    %reduce_max3A_936 = arith.constant dense<0xFF800000> : vector<50xf32>
    %reduce_max3A_937 = vector.multi_reduction <maximumf>, %dot_general3A_930, %reduce_max3A_936 [1] : vector<50x200xf32> to vector<50xf32>
    %broadcast_in_dim3A_938 = vector.shape_cast %reduce_max3A_937 : vector<50xf32> to vector<50x1xf32>
    %max3A_939 = arith.maximumf %broadcast_in_dim3A_938, %broadcast_in_dim3A_935 : vector<50x1xf32>
    %sub3A_940 = vector.broadcast %max3A_939 : vector<50x1xf32> to vector<50x200xf32>
    %sub3A_941 = arith.subf %dot_general3A_930, %sub3A_940 : vector<50x200xf32>
    %exp3A_942 = math.exp %sub3A_941 : vector<50x200xf32>
    %mul3A_943 = vector.broadcast %div3A_921 : vector<1x200xf32> to vector<50x200xf32>
    %mul3A_944 = arith.mulf %exp3A_942, %mul3A_943 : vector<50x200xf32>
    %reduce_sum3A_945 = arith.constant dense<0.000000e+00> : vector<50xf32>
    %reduce_sum3A_946 = vector.multi_reduction <add>, %mul3A_944, %reduce_sum3A_945 [1] : vector<50x200xf32> to vector<50xf32>
    %broadcast_in_dim3A_947 = vector.shape_cast %reduce_sum3A_946 : vector<50xf32> to vector<50x1xf32>
    %sub3A_948 = arith.subf %broadcast_in_dim3A_935, %max3A_939 : vector<50x1xf32>
    %exp3A_949 = math.exp %sub3A_948 : vector<50x1xf32>
    %mul3A_950 = vector.broadcast %sub3A_928 : f32 to vector<50x1xf32>
    %mul3A_951 = arith.mulf %mul3A_950, %exp3A_949 : vector<50x1xf32>
    %add3A_952 = arith.addf %broadcast_in_dim3A_947, %mul3A_951 : vector<50x1xf32>
    %log3A_953 = math.log %add3A_952 : vector<50x1xf32>
    %add3A_954 = arith.addf %max3A_939, %log3A_953 : vector<50x1xf32>
    %mul3A_955 = arith.mulf %dot_general3A_930, %convert_element_type3A_5 : vector<50x200xf32>
    %dot_general3A_956 = arith.constant dense<0.000000e+00> : vector<50x4xf32>
    %dot_general3A_957 = tpu.matmul %mul3A_955, %convert_element_type3A_12, %dot_general3A_956 {dimension_numbers = #tpu.dot_dimension_numbers<[1], [0], [0], [1], [0, 0, 1, 1], [], []>, transpose_lhs_hint = false} : vector<50x200xf32>, vector<200x4xf32>, vector<50x4xf32> -> vector<50x4xf32>
    %sub3A_958 = vector.broadcast %add3A_954 : vector<50x1xf32> to vector<50x4xf32>
    %sub3A_959 = arith.subf %dot_general3A_957, %sub3A_958 : vector<50x4xf32>
    %swap3A_960 = arith.constant 9 : index
    %swap3A_961 = arith.constant 0 : index
    %swap3A_962 = arith.constant 0 : index
    %swap3A_963 = vector.load %arg5[%swap3A_960, %swap3A_961, %swap3A_962] : memref<16x50x4xf32, #tpu.memory_space<vmem>>, vector<1x50x4xf32>
    %swap3A_964 = vector.shape_cast %swap3A_963 : vector<1x50x4xf32> to vector<50x4xf32>
    %swap3A_965 = vector.shape_cast %sub3A_959 : vector<50x4xf32> to vector<1x50x4xf32>
    tpu.vector_store %arg5[%swap3A_960, %swap3A_961, %swap3A_962], %swap3A_965 {strides = array<i32>} : memref<16x50x4xf32, #tpu.memory_space<vmem>>, vector<1x50x4xf32>,
    %get3A_966 = arith.constant 10 : index
    %get3A_967 = arith.constant 0 : index
    %get3A_968 = arith.constant 0 : index
    %get3A_969 = vector.load %arg1[%get3A_966, %get3A_967, %get3A_968] : memref<16x50x64xf32, #tpu.memory_space<vmem>>, vector<1x50x64xf32>
    %get3A_970 = vector.shape_cast %get3A_969 : vector<1x50x64xf32> to vector<50x64xf32>
    %get3A_971 = arith.constant 2000 : index
    %get3A_972 = arith.constant 0 : index
    %get3A_973 = vector.load %arg2[%get3A_971, %get3A_972] : memref<3200x128xf32, #tpu.memory_space<vmem>>, vector<200x64xf32>
    %get3A_974 = arith.constant 10 : index
    %get3A_975 = arith.constant 0 : index
    %get3A_976 = vector.load %arg3[%get3A_974, %get3A_975] : memref<16x200xi32, #tpu.memory_space<vmem>>, vector<1x200xi32>
    %and3A_977 = arith.constant 127 : i32
    %and3A_978 = vector.broadcast %and3A_977 : i32 to vector<1x200xi32>
    %and3A_979 = arith.andi %get3A_976, %and3A_978 : vector<1x200xi32>
    %shift_right_arithmetic3A_980 = arith.constant 7 : i32
    %shift_right_arithmetic3A_981 = vector.broadcast %shift_right_arithmetic3A_980 : i32 to vector<1x200xi32>
    %shift_right_arithmetic3A_982 = arith.shrsi %get3A_976, %shift_right_arithmetic3A_981 : vector<1x200xi32>
    %and3A_983 = arith.constant 127 : i32
    %and3A_984 = vector.broadcast %and3A_983 : i32 to vector<1x200xi32>
    %and3A_985 = arith.andi %shift_right_arithmetic3A_982, %and3A_984 : vector<1x200xi32>
    %shift_right_arithmetic3A_986 = arith.constant 14 : i32
    %shift_right_arithmetic3A_987 = vector.broadcast %shift_right_arithmetic3A_986 : i32 to vector<1x200xi32>
    %shift_right_arithmetic3A_988 = arith.shrsi %get3A_976, %shift_right_arithmetic3A_987 : vector<1x200xi32>
    %convert_element_type3A_989 = arith.sitofp %and3A_979 : vector<1x200xi32> to vector<1x200xf32>
    %dot_general3A_990 = arith.constant dense<0.000000e+00> : vector<200x1xf32>
    %dot_general3A_991 = tpu.matmul %convert_element_type3A_17, %convert_element_type3A_989, %dot_general3A_990 {dimension_numbers = #tpu.dot_dimension_numbers<[1], [1], [0], [0], [0, 0, 1, 0], [], []>, transpose_lhs_hint = false} : vector<200x200xf32>, vector<1x200xf32>, vector<200x1xf32> -> vector<200x1xf32>
    %convert_element_type3A_992 = arith.sitofp %and3A_985 : vector<1x200xi32> to vector<1x200xf32>
    %dot_general3A_993 = arith.constant dense<0.000000e+00> : vector<200x1xf32>
    %dot_general3A_994 = tpu.matmul %convert_element_type3A_17, %convert_element_type3A_992, %dot_general3A_993 {dimension_numbers = #tpu.dot_dimension_numbers<[1], [1], [0], [0], [0, 0, 1, 0], [], []>, transpose_lhs_hint = false} : vector<200x200xf32>, vector<1x200xf32>, vector<200x1xf32> -> vector<200x1xf32>
    %convert_element_type3A_995 = arith.sitofp %shift_right_arithmetic3A_988 : vector<1x200xi32> to vector<1x200xf32>
    %dot_general3A_996 = arith.constant dense<0.000000e+00> : vector<200x1xf32>
    %dot_general3A_997 = tpu.matmul %convert_element_type3A_17, %convert_element_type3A_995, %dot_general3A_996 {dimension_numbers = #tpu.dot_dimension_numbers<[1], [1], [0], [0], [0, 0, 1, 0], [], []>, transpose_lhs_hint = false} : vector<200x200xf32>, vector<1x200xf32>, vector<200x1xf32> -> vector<200x1xf32>
    %mul3A_998 = arith.constant 1.280000e+02 : f32
    %mul3A_999 = vector.broadcast %mul3A_998 : f32 to vector<200x1xf32>
    %mul3A_1000 = arith.mulf %mul3A_999, %dot_general3A_994 : vector<200x1xf32>
    %add3A_1001 = arith.addf %dot_general3A_991, %mul3A_1000 : vector<200x1xf32>
    %mul3A_1002 = arith.constant 1.638400e+04 : f32
    %mul3A_1003 = vector.broadcast %mul3A_1002 : f32 to vector<200x1xf32>
    %mul3A_1004 = arith.mulf %mul3A_1003, %dot_general3A_997 : vector<200x1xf32>
    %add3A_1005 = arith.addf %add3A_1001, %mul3A_1004 : vector<200x1xf32>
    %convert_element_type3A_1006 = arith.sitofp %get3A_976 : vector<1x200xi32> to vector<1x200xf32>
    %eq3A_1007 = vector.broadcast %add3A_1005 : vector<200x1xf32> to vector<200x200xf32>
    %eq3A_1008 = vector.broadcast %convert_element_type3A_1006 : vector<1x200xf32> to vector<200x200xf32>
    %eq3A_1009 = arith.cmpf oeq, %eq3A_1007, %eq3A_1008 : vector<200x200xf32>
    %convert_element_type3A_1010 = arith.extui %eq3A_1009 : vector<200x200xi1> to vector<200x200xi32>
    %convert_element_type3A_1011 = arith.sitofp %convert_element_type3A_1010 : vector<200x200xi32> to vector<200x200xf32>
    %reduce_sum3A_1012 = arith.constant dense<0.000000e+00> : vector<200xf32>
    %reduce_sum3A_1013 = vector.multi_reduction <add>, %convert_element_type3A_1011, %reduce_sum3A_1012 [0] : vector<200x200xf32> to vector<200xf32>
    %broadcast_in_dim3A_1014 = vector.shape_cast %reduce_sum3A_1013 : vector<200xf32> to vector<1x200xf32>
    %div3A_1015 = arith.constant 1.000000e+00 : f32
    %div3A_1016 = vector.broadcast %div3A_1015 : f32 to vector<1x200xf32>
    %div3A_1017 = arith.divf %div3A_1016, %broadcast_in_dim3A_1014 : vector<1x200xf32>
    %reduce_sum3A_1018 = vector.shape_cast %div3A_1017 : vector<1x200xf32> to vector<1x1x200xf32>
    %reduce_sum3A_1019 = arith.constant dense<0.000000e+00> : vector<1xf32>
    %reduce_sum3A_1020 = vector.multi_reduction <add>, %reduce_sum3A_1018, %reduce_sum3A_1019 [1, 2] : vector<1x1x200xf32> to vector<1xf32>
    %reduce_sum3A_1021 = vector.shape_cast %reduce_sum3A_1020 : vector<1xf32> to vector<1x1x1xf32>
    %reduce_sum3A_1022 = vector.extract %reduce_sum3A_1021[0, 0, 0] : f32 from vector<1x1x1xf32>
    %sub3A_1023 = arith.constant 2.000000e+02 : f32
    %sub3A_1024 = arith.subf %sub3A_1023, %reduce_sum3A_1022 : f32
    %dot_general3A_1025 = arith.constant dense<0.000000e+00> : vector<50x200xf32>
    %dot_general3A_1026 = tpu.matmul %get3A_970, %get3A_973, %dot_general3A_1025 {dimension_numbers = #tpu.dot_dimension_numbers<[1], [1], [0], [0], [0, 0, 1, 0], [], []>, transpose_lhs_hint = false} : vector<50x64xf32>, vector<200x64xf32>, vector<50x200xf32> -> vector<50x200xf32>
    %mul3A_1027 = vector.broadcast %get3A_1 : vector<1x64xf32> to vector<50x64xf32>
    %mul3A_1028 = arith.mulf %get3A_970, %mul3A_1027 : vector<50x64xf32>
    %reduce_sum3A_1029 = arith.constant dense<0.000000e+00> : vector<50xf32>
    %reduce_sum3A_1030 = vector.multi_reduction <add>, %mul3A_1028, %reduce_sum3A_1029 [1] : vector<50x64xf32> to vector<50xf32>
    %broadcast_in_dim3A_1031 = vector.shape_cast %reduce_sum3A_1030 : vector<50xf32> to vector<50x1xf32>
    %reduce_max3A_1032 = arith.constant dense<0xFF800000> : vector<50xf32>
    %reduce_max3A_1033 = vector.multi_reduction <maximumf>, %dot_general3A_1026, %reduce_max3A_1032 [1] : vector<50x200xf32> to vector<50xf32>
    %broadcast_in_dim3A_1034 = vector.shape_cast %reduce_max3A_1033 : vector<50xf32> to vector<50x1xf32>
    %max3A_1035 = arith.maximumf %broadcast_in_dim3A_1034, %broadcast_in_dim3A_1031 : vector<50x1xf32>
    %sub3A_1036 = vector.broadcast %max3A_1035 : vector<50x1xf32> to vector<50x200xf32>
    %sub3A_1037 = arith.subf %dot_general3A_1026, %sub3A_1036 : vector<50x200xf32>
    %exp3A_1038 = math.exp %sub3A_1037 : vector<50x200xf32>
    %mul3A_1039 = vector.broadcast %div3A_1017 : vector<1x200xf32> to vector<50x200xf32>
    %mul3A_1040 = arith.mulf %exp3A_1038, %mul3A_1039 : vector<50x200xf32>
    %reduce_sum3A_1041 = arith.constant dense<0.000000e+00> : vector<50xf32>
    %reduce_sum3A_1042 = vector.multi_reduction <add>, %mul3A_1040, %reduce_sum3A_1041 [1] : vector<50x200xf32> to vector<50xf32>
    %broadcast_in_dim3A_1043 = vector.shape_cast %reduce_sum3A_1042 : vector<50xf32> to vector<50x1xf32>
    %sub3A_1044 = arith.subf %broadcast_in_dim3A_1031, %max3A_1035 : vector<50x1xf32>
    %exp3A_1045 = math.exp %sub3A_1044 : vector<50x1xf32>
    %mul3A_1046 = vector.broadcast %sub3A_1024 : f32 to vector<50x1xf32>
    %mul3A_1047 = arith.mulf %mul3A_1046, %exp3A_1045 : vector<50x1xf32>
    %add3A_1048 = arith.addf %broadcast_in_dim3A_1043, %mul3A_1047 : vector<50x1xf32>
    %log3A_1049 = math.log %add3A_1048 : vector<50x1xf32>
    %add3A_1050 = arith.addf %max3A_1035, %log3A_1049 : vector<50x1xf32>
    %mul3A_1051 = arith.mulf %dot_general3A_1026, %convert_element_type3A_5 : vector<50x200xf32>
    %dot_general3A_1052 = arith.constant dense<0.000000e+00> : vector<50x4xf32>
    %dot_general3A_1053 = tpu.matmul %mul3A_1051, %convert_element_type3A_12, %dot_general3A_1052 {dimension_numbers = #tpu.dot_dimension_numbers<[1], [0], [0], [1], [0, 0, 1, 1], [], []>, transpose_lhs_hint = false} : vector<50x200xf32>, vector<200x4xf32>, vector<50x4xf32> -> vector<50x4xf32>
    %sub3A_1054 = vector.broadcast %add3A_1050 : vector<50x1xf32> to vector<50x4xf32>
    %sub3A_1055 = arith.subf %dot_general3A_1053, %sub3A_1054 : vector<50x4xf32>
    %swap3A_1056 = arith.constant 10 : index
    %swap3A_1057 = arith.constant 0 : index
    %swap3A_1058 = arith.constant 0 : index
    %swap3A_1059 = vector.load %arg5[%swap3A_1056, %swap3A_1057, %swap3A_1058] : memref<16x50x4xf32, #tpu.memory_space<vmem>>, vector<1x50x4xf32>
    %swap3A_1060 = vector.shape_cast %swap3A_1059 : vector<1x50x4xf32> to vector<50x4xf32>
    %swap3A_1061 = vector.shape_cast %sub3A_1055 : vector<50x4xf32> to vector<1x50x4xf32>
    tpu.vector_store %arg5[%swap3A_1056, %swap3A_1057, %swap3A_1058], %swap3A_1061 {strides = array<i32>} : memref<16x50x4xf32, #tpu.memory_space<vmem>>, vector<1x50x4xf32>,
    %get3A_1062 = arith.constant 11 : index
    %get3A_1063 = arith.constant 0 : index
    %get3A_1064 = arith.constant 0 : index
    %get3A_1065 = vector.load %arg1[%get3A_1062, %get3A_1063, %get3A_1064] : memref<16x50x64xf32, #tpu.memory_space<vmem>>, vector<1x50x64xf32>
    %get3A_1066 = vector.shape_cast %get3A_1065 : vector<1x50x64xf32> to vector<50x64xf32>
    %get3A_1067 = arith.constant 2200 : index
    %get3A_1068 = arith.constant 0 : index
    %get3A_1069 = vector.load %arg2[%get3A_1067, %get3A_1068] : memref<3200x128xf32, #tpu.memory_space<vmem>>, vector<200x64xf32>
    %get3A_1070 = arith.constant 11 : index
    %get3A_1071 = arith.constant 0 : index
    %get3A_1072 = vector.load %arg3[%get3A_1070, %get3A_1071] : memref<16x200xi32, #tpu.memory_space<vmem>>, vector<1x200xi32>
    %and3A_1073 = arith.constant 127 : i32
    %and3A_1074 = vector.broadcast %and3A_1073 : i32 to vector<1x200xi32>
    %and3A_1075 = arith.andi %get3A_1072, %and3A_1074 : vector<1x200xi32>
    %shift_right_arithmetic3A_1076 = arith.constant 7 : i32
    %shift_right_arithmetic3A_1077 = vector.broadcast %shift_right_arithmetic3A_1076 : i32 to vector<1x200xi32>
    %shift_right_arithmetic3A_1078 = arith.shrsi %get3A_1072, %shift_right_arithmetic3A_1077 : vector<1x200xi32>
    %and3A_1079 = arith.constant 127 : i32
    %and3A_1080 = vector.broadcast %and3A_1079 : i32 to vector<1x200xi32>
    %and3A_1081 = arith.andi %shift_right_arithmetic3A_1078, %and3A_1080 : vector<1x200xi32>
    %shift_right_arithmetic3A_1082 = arith.constant 14 : i32
    %shift_right_arithmetic3A_1083 = vector.broadcast %shift_right_arithmetic3A_1082 : i32 to vector<1x200xi32>
    %shift_right_arithmetic3A_1084 = arith.shrsi %get3A_1072, %shift_right_arithmetic3A_1083 : vector<1x200xi32>
    %convert_element_type3A_1085 = arith.sitofp %and3A_1075 : vector<1x200xi32> to vector<1x200xf32>
    %dot_general3A_1086 = arith.constant dense<0.000000e+00> : vector<200x1xf32>
    %dot_general3A_1087 = tpu.matmul %convert_element_type3A_17, %convert_element_type3A_1085, %dot_general3A_1086 {dimension_numbers = #tpu.dot_dimension_numbers<[1], [1], [0], [0], [0, 0, 1, 0], [], []>, transpose_lhs_hint = false} : vector<200x200xf32>, vector<1x200xf32>, vector<200x1xf32> -> vector<200x1xf32>
    %convert_element_type3A_1088 = arith.sitofp %and3A_1081 : vector<1x200xi32> to vector<1x200xf32>
    %dot_general3A_1089 = arith.constant dense<0.000000e+00> : vector<200x1xf32>
    %dot_general3A_1090 = tpu.matmul %convert_element_type3A_17, %convert_element_type3A_1088, %dot_general3A_1089 {dimension_numbers = #tpu.dot_dimension_numbers<[1], [1], [0], [0], [0, 0, 1, 0], [], []>, transpose_lhs_hint = false} : vector<200x200xf32>, vector<1x200xf32>, vector<200x1xf32> -> vector<200x1xf32>
    %convert_element_type3A_1091 = arith.sitofp %shift_right_arithmetic3A_1084 : vector<1x200xi32> to vector<1x200xf32>
    %dot_general3A_1092 = arith.constant dense<0.000000e+00> : vector<200x1xf32>
    %dot_general3A_1093 = tpu.matmul %convert_element_type3A_17, %convert_element_type3A_1091, %dot_general3A_1092 {dimension_numbers = #tpu.dot_dimension_numbers<[1], [1], [0], [0], [0, 0, 1, 0], [], []>, transpose_lhs_hint = false} : vector<200x200xf32>, vector<1x200xf32>, vector<200x1xf32> -> vector<200x1xf32>
    %mul3A_1094 = arith.constant 1.280000e+02 : f32
    %mul3A_1095 = vector.broadcast %mul3A_1094 : f32 to vector<200x1xf32>
    %mul3A_1096 = arith.mulf %mul3A_1095, %dot_general3A_1090 : vector<200x1xf32>
    %add3A_1097 = arith.addf %dot_general3A_1087, %mul3A_1096 : vector<200x1xf32>
    %mul3A_1098 = arith.constant 1.638400e+04 : f32
    %mul3A_1099 = vector.broadcast %mul3A_1098 : f32 to vector<200x1xf32>
    %mul3A_1100 = arith.mulf %mul3A_1099, %dot_general3A_1093 : vector<200x1xf32>
    %add3A_1101 = arith.addf %add3A_1097, %mul3A_1100 : vector<200x1xf32>
    %convert_element_type3A_1102 = arith.sitofp %get3A_1072 : vector<1x200xi32> to vector<1x200xf32>
    %eq3A_1103 = vector.broadcast %add3A_1101 : vector<200x1xf32> to vector<200x200xf32>
    %eq3A_1104 = vector.broadcast %convert_element_type3A_1102 : vector<1x200xf32> to vector<200x200xf32>
    %eq3A_1105 = arith.cmpf oeq, %eq3A_1103, %eq3A_1104 : vector<200x200xf32>
    %convert_element_type3A_1106 = arith.extui %eq3A_1105 : vector<200x200xi1> to vector<200x200xi32>
    %convert_element_type3A_1107 = arith.sitofp %convert_element_type3A_1106 : vector<200x200xi32> to vector<200x200xf32>
    %reduce_sum3A_1108 = arith.constant dense<0.000000e+00> : vector<200xf32>
    %reduce_sum3A_1109 = vector.multi_reduction <add>, %convert_element_type3A_1107, %reduce_sum3A_1108 [0] : vector<200x200xf32> to vector<200xf32>
    %broadcast_in_dim3A_1110 = vector.shape_cast %reduce_sum3A_1109 : vector<200xf32> to vector<1x200xf32>
    %div3A_1111 = arith.constant 1.000000e+00 : f32
    %div3A_1112 = vector.broadcast %div3A_1111 : f32 to vector<1x200xf32>
    %div3A_1113 = arith.divf %div3A_1112, %broadcast_in_dim3A_1110 : vector<1x200xf32>
    %reduce_sum3A_1114 = vector.shape_cast %div3A_1113 : vector<1x200xf32> to vector<1x1x200xf32>
    %reduce_sum3A_1115 = arith.constant dense<0.000000e+00> : vector<1xf32>
    %reduce_sum3A_1116 = vector.multi_reduction <add>, %reduce_sum3A_1114, %reduce_sum3A_1115 [1, 2] : vector<1x1x200xf32> to vector<1xf32>
    %reduce_sum3A_1117 = vector.shape_cast %reduce_sum3A_1116 : vector<1xf32> to vector<1x1x1xf32>
    %reduce_sum3A_1118 = vector.extract %reduce_sum3A_1117[0, 0, 0] : f32 from vector<1x1x1xf32>
    %sub3A_1119 = arith.constant 2.000000e+02 : f32
    %sub3A_1120 = arith.subf %sub3A_1119, %reduce_sum3A_1118 : f32
    %dot_general3A_1121 = arith.constant dense<0.000000e+00> : vector<50x200xf32>
    %dot_general3A_1122 = tpu.matmul %get3A_1066, %get3A_1069, %dot_general3A_1121 {dimension_numbers = #tpu.dot_dimension_numbers<[1], [1], [0], [0], [0, 0, 1, 0], [], []>, transpose_lhs_hint = false} : vector<50x64xf32>, vector<200x64xf32>, vector<50x200xf32> -> vector<50x200xf32>
    %mul3A_1123 = vector.broadcast %get3A_1 : vector<1x64xf32> to vector<50x64xf32>
    %mul3A_1124 = arith.mulf %get3A_1066, %mul3A_1123 : vector<50x64xf32>
    %reduce_sum3A_1125 = arith.constant dense<0.000000e+00> : vector<50xf32>
    %reduce_sum3A_1126 = vector.multi_reduction <add>, %mul3A_1124, %reduce_sum3A_1125 [1] : vector<50x64xf32> to vector<50xf32>
    %broadcast_in_dim3A_1127 = vector.shape_cast %reduce_sum3A_1126 : vector<50xf32> to vector<50x1xf32>
    %reduce_max3A_1128 = arith.constant dense<0xFF800000> : vector<50xf32>
    %reduce_max3A_1129 = vector.multi_reduction <maximumf>, %dot_general3A_1122, %reduce_max3A_1128 [1] : vector<50x200xf32> to vector<50xf32>
    %broadcast_in_dim3A_1130 = vector.shape_cast %reduce_max3A_1129 : vector<50xf32> to vector<50x1xf32>
    %max3A_1131 = arith.maximumf %broadcast_in_dim3A_1130, %broadcast_in_dim3A_1127 : vector<50x1xf32>
    %sub3A_1132 = vector.broadcast %max3A_1131 : vector<50x1xf32> to vector<50x200xf32>
    %sub3A_1133 = arith.subf %dot_general3A_1122, %sub3A_1132 : vector<50x200xf32>
    %exp3A_1134 = math.exp %sub3A_1133 : vector<50x200xf32>
    %mul3A_1135 = vector.broadcast %div3A_1113 : vector<1x200xf32> to vector<50x200xf32>
    %mul3A_1136 = arith.mulf %exp3A_1134, %mul3A_1135 : vector<50x200xf32>
    %reduce_sum3A_1137 = arith.constant dense<0.000000e+00> : vector<50xf32>
    %reduce_sum3A_1138 = vector.multi_reduction <add>, %mul3A_1136, %reduce_sum3A_1137 [1] : vector<50x200xf32> to vector<50xf32>
    %broadcast_in_dim3A_1139 = vector.shape_cast %reduce_sum3A_1138 : vector<50xf32> to vector<50x1xf32>
    %sub3A_1140 = arith.subf %broadcast_in_dim3A_1127, %max3A_1131 : vector<50x1xf32>
    %exp3A_1141 = math.exp %sub3A_1140 : vector<50x1xf32>
    %mul3A_1142 = vector.broadcast %sub3A_1120 : f32 to vector<50x1xf32>
    %mul3A_1143 = arith.mulf %mul3A_1142, %exp3A_1141 : vector<50x1xf32>
    %add3A_1144 = arith.addf %broadcast_in_dim3A_1139, %mul3A_1143 : vector<50x1xf32>
    %log3A_1145 = math.log %add3A_1144 : vector<50x1xf32>
    %add3A_1146 = arith.addf %max3A_1131, %log3A_1145 : vector<50x1xf32>
    %mul3A_1147 = arith.mulf %dot_general3A_1122, %convert_element_type3A_5 : vector<50x200xf32>
    %dot_general3A_1148 = arith.constant dense<0.000000e+00> : vector<50x4xf32>
    %dot_general3A_1149 = tpu.matmul %mul3A_1147, %convert_element_type3A_12, %dot_general3A_1148 {dimension_numbers = #tpu.dot_dimension_numbers<[1], [0], [0], [1], [0, 0, 1, 1], [], []>, transpose_lhs_hint = false} : vector<50x200xf32>, vector<200x4xf32>, vector<50x4xf32> -> vector<50x4xf32>
    %sub3A_1150 = vector.broadcast %add3A_1146 : vector<50x1xf32> to vector<50x4xf32>
    %sub3A_1151 = arith.subf %dot_general3A_1149, %sub3A_1150 : vector<50x4xf32>
    %swap3A_1152 = arith.constant 11 : index
    %swap3A_1153 = arith.constant 0 : index
    %swap3A_1154 = arith.constant 0 : index
    %swap3A_1155 = vector.load %arg5[%swap3A_1152, %swap3A_1153, %swap3A_1154] : memref<16x50x4xf32, #tpu.memory_space<vmem>>, vector<1x50x4xf32>
    %swap3A_1156 = vector.shape_cast %swap3A_1155 : vector<1x50x4xf32> to vector<50x4xf32>
    %swap3A_1157 = vector.shape_cast %sub3A_1151 : vector<50x4xf32> to vector<1x50x4xf32>
    tpu.vector_store %arg5[%swap3A_1152, %swap3A_1153, %swap3A_1154], %swap3A_1157 {strides = array<i32>} : memref<16x50x4xf32, #tpu.memory_space<vmem>>, vector<1x50x4xf32>,
    %get3A_1158 = arith.constant 12 : index
    %get3A_1159 = arith.constant 0 : index
    %get3A_1160 = arith.constant 0 : index
    %get3A_1161 = vector.load %arg1[%get3A_1158, %get3A_1159, %get3A_1160] : memref<16x50x64xf32, #tpu.memory_space<vmem>>, vector<1x50x64xf32>
    %get3A_1162 = vector.shape_cast %get3A_1161 : vector<1x50x64xf32> to vector<50x64xf32>
    %get3A_1163 = arith.constant 2400 : index
    %get3A_1164 = arith.constant 0 : index
    %get3A_1165 = vector.load %arg2[%get3A_1163, %get3A_1164] : memref<3200x128xf32, #tpu.memory_space<vmem>>, vector<200x64xf32>
    %get3A_1166 = arith.constant 12 : index
    %get3A_1167 = arith.constant 0 : index
    %get3A_1168 = vector.load %arg3[%get3A_1166, %get3A_1167] : memref<16x200xi32, #tpu.memory_space<vmem>>, vector<1x200xi32>
    %and3A_1169 = arith.constant 127 : i32
    %and3A_1170 = vector.broadcast %and3A_1169 : i32 to vector<1x200xi32>
    %and3A_1171 = arith.andi %get3A_1168, %and3A_1170 : vector<1x200xi32>
    %shift_right_arithmetic3A_1172 = arith.constant 7 : i32
    %shift_right_arithmetic3A_1173 = vector.broadcast %shift_right_arithmetic3A_1172 : i32 to vector<1x200xi32>
    %shift_right_arithmetic3A_1174 = arith.shrsi %get3A_1168, %shift_right_arithmetic3A_1173 : vector<1x200xi32>
    %and3A_1175 = arith.constant 127 : i32
    %and3A_1176 = vector.broadcast %and3A_1175 : i32 to vector<1x200xi32>
    %and3A_1177 = arith.andi %shift_right_arithmetic3A_1174, %and3A_1176 : vector<1x200xi32>
    %shift_right_arithmetic3A_1178 = arith.constant 14 : i32
    %shift_right_arithmetic3A_1179 = vector.broadcast %shift_right_arithmetic3A_1178 : i32 to vector<1x200xi32>
    %shift_right_arithmetic3A_1180 = arith.shrsi %get3A_1168, %shift_right_arithmetic3A_1179 : vector<1x200xi32>
    %convert_element_type3A_1181 = arith.sitofp %and3A_1171 : vector<1x200xi32> to vector<1x200xf32>
    %dot_general3A_1182 = arith.constant dense<0.000000e+00> : vector<200x1xf32>
    %dot_general3A_1183 = tpu.matmul %convert_element_type3A_17, %convert_element_type3A_1181, %dot_general3A_1182 {dimension_numbers = #tpu.dot_dimension_numbers<[1], [1], [0], [0], [0, 0, 1, 0], [], []>, transpose_lhs_hint = false} : vector<200x200xf32>, vector<1x200xf32>, vector<200x1xf32> -> vector<200x1xf32>
    %convert_element_type3A_1184 = arith.sitofp %and3A_1177 : vector<1x200xi32> to vector<1x200xf32>
    %dot_general3A_1185 = arith.constant dense<0.000000e+00> : vector<200x1xf32>
    %dot_general3A_1186 = tpu.matmul %convert_element_type3A_17, %convert_element_type3A_1184, %dot_general3A_1185 {dimension_numbers = #tpu.dot_dimension_numbers<[1], [1], [0], [0], [0, 0, 1, 0], [], []>, transpose_lhs_hint = false} : vector<200x200xf32>, vector<1x200xf32>, vector<200x1xf32> -> vector<200x1xf32>
    %convert_element_type3A_1187 = arith.sitofp %shift_right_arithmetic3A_1180 : vector<1x200xi32> to vector<1x200xf32>
    %dot_general3A_1188 = arith.constant dense<0.000000e+00> : vector<200x1xf32>
    %dot_general3A_1189 = tpu.matmul %convert_element_type3A_17, %convert_element_type3A_1187, %dot_general3A_1188 {dimension_numbers = #tpu.dot_dimension_numbers<[1], [1], [0], [0], [0, 0, 1, 0], [], []>, transpose_lhs_hint = false} : vector<200x200xf32>, vector<1x200xf32>, vector<200x1xf32> -> vector<200x1xf32>
    %mul3A_1190 = arith.constant 1.280000e+02 : f32
    %mul3A_1191 = vector.broadcast %mul3A_1190 : f32 to vector<200x1xf32>
    %mul3A_1192 = arith.mulf %mul3A_1191, %dot_general3A_1186 : vector<200x1xf32>
    %add3A_1193 = arith.addf %dot_general3A_1183, %mul3A_1192 : vector<200x1xf32>
    %mul3A_1194 = arith.constant 1.638400e+04 : f32
    %mul3A_1195 = vector.broadcast %mul3A_1194 : f32 to vector<200x1xf32>
    %mul3A_1196 = arith.mulf %mul3A_1195, %dot_general3A_1189 : vector<200x1xf32>
    %add3A_1197 = arith.addf %add3A_1193, %mul3A_1196 : vector<200x1xf32>
    %convert_element_type3A_1198 = arith.sitofp %get3A_1168 : vector<1x200xi32> to vector<1x200xf32>
    %eq3A_1199 = vector.broadcast %add3A_1197 : vector<200x1xf32> to vector<200x200xf32>
    %eq3A_1200 = vector.broadcast %convert_element_type3A_1198 : vector<1x200xf32> to vector<200x200xf32>
    %eq3A_1201 = arith.cmpf oeq, %eq3A_1199, %eq3A_1200 : vector<200x200xf32>
    %convert_element_type3A_1202 = arith.extui %eq3A_1201 : vector<200x200xi1> to vector<200x200xi32>
    %convert_element_type3A_1203 = arith.sitofp %convert_element_type3A_1202 : vector<200x200xi32> to vector<200x200xf32>
    %reduce_sum3A_1204 = arith.constant dense<0.000000e+00> : vector<200xf32>
    %reduce_sum3A_1205 = vector.multi_reduction <add>, %convert_element_type3A_1203, %reduce_sum3A_1204 [0] : vector<200x200xf32> to vector<200xf32>
    %broadcast_in_dim3A_1206 = vector.shape_cast %reduce_sum3A_1205 : vector<200xf32> to vector<1x200xf32>
    %div3A_1207 = arith.constant 1.000000e+00 : f32
    %div3A_1208 = vector.broadcast %div3A_1207 : f32 to vector<1x200xf32>
    %div3A_1209 = arith.divf %div3A_1208, %broadcast_in_dim3A_1206 : vector<1x200xf32>
    %reduce_sum3A_1210 = vector.shape_cast %div3A_1209 : vector<1x200xf32> to vector<1x1x200xf32>
    %reduce_sum3A_1211 = arith.constant dense<0.000000e+00> : vector<1xf32>
    %reduce_sum3A_1212 = vector.multi_reduction <add>, %reduce_sum3A_1210, %reduce_sum3A_1211 [1, 2] : vector<1x1x200xf32> to vector<1xf32>
    %reduce_sum3A_1213 = vector.shape_cast %reduce_sum3A_1212 : vector<1xf32> to vector<1x1x1xf32>
    %reduce_sum3A_1214 = vector.extract %reduce_sum3A_1213[0, 0, 0] : f32 from vector<1x1x1xf32>
    %sub3A_1215 = arith.constant 2.000000e+02 : f32
    %sub3A_1216 = arith.subf %sub3A_1215, %reduce_sum3A_1214 : f32
    %dot_general3A_1217 = arith.constant dense<0.000000e+00> : vector<50x200xf32>
    %dot_general3A_1218 = tpu.matmul %get3A_1162, %get3A_1165, %dot_general3A_1217 {dimension_numbers = #tpu.dot_dimension_numbers<[1], [1], [0], [0], [0, 0, 1, 0], [], []>, transpose_lhs_hint = false} : vector<50x64xf32>, vector<200x64xf32>, vector<50x200xf32> -> vector<50x200xf32>
    %mul3A_1219 = vector.broadcast %get3A_1 : vector<1x64xf32> to vector<50x64xf32>
    %mul3A_1220 = arith.mulf %get3A_1162, %mul3A_1219 : vector<50x64xf32>
    %reduce_sum3A_1221 = arith.constant dense<0.000000e+00> : vector<50xf32>
    %reduce_sum3A_1222 = vector.multi_reduction <add>, %mul3A_1220, %reduce_sum3A_1221 [1] : vector<50x64xf32> to vector<50xf32>
    %broadcast_in_dim3A_1223 = vector.shape_cast %reduce_sum3A_1222 : vector<50xf32> to vector<50x1xf32>
    %reduce_max3A_1224 = arith.constant dense<0xFF800000> : vector<50xf32>
    %reduce_max3A_1225 = vector.multi_reduction <maximumf>, %dot_general3A_1218, %reduce_max3A_1224 [1] : vector<50x200xf32> to vector<50xf32>
    %broadcast_in_dim3A_1226 = vector.shape_cast %reduce_max3A_1225 : vector<50xf32> to vector<50x1xf32>
    %max3A_1227 = arith.maximumf %broadcast_in_dim3A_1226, %broadcast_in_dim3A_1223 : vector<50x1xf32>
    %sub3A_1228 = vector.broadcast %max3A_1227 : vector<50x1xf32> to vector<50x200xf32>
    %sub3A_1229 = arith.subf %dot_general3A_1218, %sub3A_1228 : vector<50x200xf32>
    %exp3A_1230 = math.exp %sub3A_1229 : vector<50x200xf32>
    %mul3A_1231 = vector.broadcast %div3A_1209 : vector<1x200xf32> to vector<50x200xf32>
    %mul3A_1232 = arith.mulf %exp3A_1230, %mul3A_1231 : vector<50x200xf32>
    %reduce_sum3A_1233 = arith.constant dense<0.000000e+00> : vector<50xf32>
    %reduce_sum3A_1234 = vector.multi_reduction <add>, %mul3A_1232, %reduce_sum3A_1233 [1] : vector<50x200xf32> to vector<50xf32>
    %broadcast_in_dim3A_1235 = vector.shape_cast %reduce_sum3A_1234 : vector<50xf32> to vector<50x1xf32>
    %sub3A_1236 = arith.subf %broadcast_in_dim3A_1223, %max3A_1227 : vector<50x1xf32>
    %exp3A_1237 = math.exp %sub3A_1236 : vector<50x1xf32>
    %mul3A_1238 = vector.broadcast %sub3A_1216 : f32 to vector<50x1xf32>
    %mul3A_1239 = arith.mulf %mul3A_1238, %exp3A_1237 : vector<50x1xf32>
    %add3A_1240 = arith.addf %broadcast_in_dim3A_1235, %mul3A_1239 : vector<50x1xf32>
    %log3A_1241 = math.log %add3A_1240 : vector<50x1xf32>
    %add3A_1242 = arith.addf %max3A_1227, %log3A_1241 : vector<50x1xf32>
    %mul3A_1243 = arith.mulf %dot_general3A_1218, %convert_element_type3A_5 : vector<50x200xf32>
    %dot_general3A_1244 = arith.constant dense<0.000000e+00> : vector<50x4xf32>
    %dot_general3A_1245 = tpu.matmul %mul3A_1243, %convert_element_type3A_12, %dot_general3A_1244 {dimension_numbers = #tpu.dot_dimension_numbers<[1], [0], [0], [1], [0, 0, 1, 1], [], []>, transpose_lhs_hint = false} : vector<50x200xf32>, vector<200x4xf32>, vector<50x4xf32> -> vector<50x4xf32>
    %sub3A_1246 = vector.broadcast %add3A_1242 : vector<50x1xf32> to vector<50x4xf32>
    %sub3A_1247 = arith.subf %dot_general3A_1245, %sub3A_1246 : vector<50x4xf32>
    %swap3A_1248 = arith.constant 12 : index
    %swap3A_1249 = arith.constant 0 : index
    %swap3A_1250 = arith.constant 0 : index
    %swap3A_1251 = vector.load %arg5[%swap3A_1248, %swap3A_1249, %swap3A_1250] : memref<16x50x4xf32, #tpu.memory_space<vmem>>, vector<1x50x4xf32>
    %swap3A_1252 = vector.shape_cast %swap3A_1251 : vector<1x50x4xf32> to vector<50x4xf32>
    %swap3A_1253 = vector.shape_cast %sub3A_1247 : vector<50x4xf32> to vector<1x50x4xf32>
    tpu.vector_store %arg5[%swap3A_1248, %swap3A_1249, %swap3A_1250], %swap3A_1253 {strides = array<i32>} : memref<16x50x4xf32, #tpu.memory_space<vmem>>, vector<1x50x4xf32>,
    %get3A_1254 = arith.constant 13 : index
    %get3A_1255 = arith.constant 0 : index
    %get3A_1256 = arith.constant 0 : index
    %get3A_1257 = vector.load %arg1[%get3A_1254, %get3A_1255, %get3A_1256] : memref<16x50x64xf32, #tpu.memory_space<vmem>>, vector<1x50x64xf32>
    %get3A_1258 = vector.shape_cast %get3A_1257 : vector<1x50x64xf32> to vector<50x64xf32>
    %get3A_1259 = arith.constant 2600 : index
    %get3A_1260 = arith.constant 0 : index
    %get3A_1261 = vector.load %arg2[%get3A_1259, %get3A_1260] : memref<3200x128xf32, #tpu.memory_space<vmem>>, vector<200x64xf32>
    %get3A_1262 = arith.constant 13 : index
    %get3A_1263 = arith.constant 0 : index
    %get3A_1264 = vector.load %arg3[%get3A_1262, %get3A_1263] : memref<16x200xi32, #tpu.memory_space<vmem>>, vector<1x200xi32>
    %and3A_1265 = arith.constant 127 : i32
    %and3A_1266 = vector.broadcast %and3A_1265 : i32 to vector<1x200xi32>
    %and3A_1267 = arith.andi %get3A_1264, %and3A_1266 : vector<1x200xi32>
    %shift_right_arithmetic3A_1268 = arith.constant 7 : i32
    %shift_right_arithmetic3A_1269 = vector.broadcast %shift_right_arithmetic3A_1268 : i32 to vector<1x200xi32>
    %shift_right_arithmetic3A_1270 = arith.shrsi %get3A_1264, %shift_right_arithmetic3A_1269 : vector<1x200xi32>
    %and3A_1271 = arith.constant 127 : i32
    %and3A_1272 = vector.broadcast %and3A_1271 : i32 to vector<1x200xi32>
    %and3A_1273 = arith.andi %shift_right_arithmetic3A_1270, %and3A_1272 : vector<1x200xi32>
    %shift_right_arithmetic3A_1274 = arith.constant 14 : i32
    %shift_right_arithmetic3A_1275 = vector.broadcast %shift_right_arithmetic3A_1274 : i32 to vector<1x200xi32>
    %shift_right_arithmetic3A_1276 = arith.shrsi %get3A_1264, %shift_right_arithmetic3A_1275 : vector<1x200xi32>
    %convert_element_type3A_1277 = arith.sitofp %and3A_1267 : vector<1x200xi32> to vector<1x200xf32>
    %dot_general3A_1278 = arith.constant dense<0.000000e+00> : vector<200x1xf32>
    %dot_general3A_1279 = tpu.matmul %convert_element_type3A_17, %convert_element_type3A_1277, %dot_general3A_1278 {dimension_numbers = #tpu.dot_dimension_numbers<[1], [1], [0], [0], [0, 0, 1, 0], [], []>, transpose_lhs_hint = false} : vector<200x200xf32>, vector<1x200xf32>, vector<200x1xf32> -> vector<200x1xf32>
    %convert_element_type3A_1280 = arith.sitofp %and3A_1273 : vector<1x200xi32> to vector<1x200xf32>
    %dot_general3A_1281 = arith.constant dense<0.000000e+00> : vector<200x1xf32>
    %dot_general3A_1282 = tpu.matmul %convert_element_type3A_17, %convert_element_type3A_1280, %dot_general3A_1281 {dimension_numbers = #tpu.dot_dimension_numbers<[1], [1], [0], [0], [0, 0, 1, 0], [], []>, transpose_lhs_hint = false} : vector<200x200xf32>, vector<1x200xf32>, vector<200x1xf32> -> vector<200x1xf32>
    %convert_element_type3A_1283 = arith.sitofp %shift_right_arithmetic3A_1276 : vector<1x200xi32> to vector<1x200xf32>
    %dot_general3A_1284 = arith.constant dense<0.000000e+00> : vector<200x1xf32>
    %dot_general3A_1285 = tpu.matmul %convert_element_type3A_17, %convert_element_type3A_1283, %dot_general3A_1284 {dimension_numbers = #tpu.dot_dimension_numbers<[1], [1], [0], [0], [0, 0, 1, 0], [], []>, transpose_lhs_hint = false} : vector<200x200xf32>, vector<1x200xf32>, vector<200x1xf32> -> vector<200x1xf32>
    %mul3A_1286 = arith.constant 1.280000e+02 : f32
    %mul3A_1287 = vector.broadcast %mul3A_1286 : f32 to vector<200x1xf32>
    %mul3A_1288 = arith.mulf %mul3A_1287, %dot_general3A_1282 : vector<200x1xf32>
    %add3A_1289 = arith.addf %dot_general3A_1279, %mul3A_1288 : vector<200x1xf32>
    %mul3A_1290 = arith.constant 1.638400e+04 : f32
    %mul3A_1291 = vector.broadcast %mul3A_1290 : f32 to vector<200x1xf32>
    %mul3A_1292 = arith.mulf %mul3A_1291, %dot_general3A_1285 : vector<200x1xf32>
    %add3A_1293 = arith.addf %add3A_1289, %mul3A_1292 : vector<200x1xf32>
    %convert_element_type3A_1294 = arith.sitofp %get3A_1264 : vector<1x200xi32> to vector<1x200xf32>
    %eq3A_1295 = vector.broadcast %add3A_1293 : vector<200x1xf32> to vector<200x200xf32>
    %eq3A_1296 = vector.broadcast %convert_element_type3A_1294 : vector<1x200xf32> to vector<200x200xf32>
    %eq3A_1297 = arith.cmpf oeq, %eq3A_1295, %eq3A_1296 : vector<200x200xf32>
    %convert_element_type3A_1298 = arith.extui %eq3A_1297 : vector<200x200xi1> to vector<200x200xi32>
    %convert_element_type3A_1299 = arith.sitofp %convert_element_type3A_1298 : vector<200x200xi32> to vector<200x200xf32>
    %reduce_sum3A_1300 = arith.constant dense<0.000000e+00> : vector<200xf32>
    %reduce_sum3A_1301 = vector.multi_reduction <add>, %convert_element_type3A_1299, %reduce_sum3A_1300 [0] : vector<200x200xf32> to vector<200xf32>
    %broadcast_in_dim3A_1302 = vector.shape_cast %reduce_sum3A_1301 : vector<200xf32> to vector<1x200xf32>
    %div3A_1303 = arith.constant 1.000000e+00 : f32
    %div3A_1304 = vector.broadcast %div3A_1303 : f32 to vector<1x200xf32>
    %div3A_1305 = arith.divf %div3A_1304, %broadcast_in_dim3A_1302 : vector<1x200xf32>
    %reduce_sum3A_1306 = vector.shape_cast %div3A_1305 : vector<1x200xf32> to vector<1x1x200xf32>
    %reduce_sum3A_1307 = arith.constant dense<0.000000e+00> : vector<1xf32>
    %reduce_sum3A_1308 = vector.multi_reduction <add>, %reduce_sum3A_1306, %reduce_sum3A_1307 [1, 2] : vector<1x1x200xf32> to vector<1xf32>
    %reduce_sum3A_1309 = vector.shape_cast %reduce_sum3A_1308 : vector<1xf32> to vector<1x1x1xf32>
    %reduce_sum3A_1310 = vector.extract %reduce_sum3A_1309[0, 0, 0] : f32 from vector<1x1x1xf32>
    %sub3A_1311 = arith.constant 2.000000e+02 : f32
    %sub3A_1312 = arith.subf %sub3A_1311, %reduce_sum3A_1310 : f32
    %dot_general3A_1313 = arith.constant dense<0.000000e+00> : vector<50x200xf32>
    %dot_general3A_1314 = tpu.matmul %get3A_1258, %get3A_1261, %dot_general3A_1313 {dimension_numbers = #tpu.dot_dimension_numbers<[1], [1], [0], [0], [0, 0, 1, 0], [], []>, transpose_lhs_hint = false} : vector<50x64xf32>, vector<200x64xf32>, vector<50x200xf32> -> vector<50x200xf32>
    %mul3A_1315 = vector.broadcast %get3A_1 : vector<1x64xf32> to vector<50x64xf32>
    %mul3A_1316 = arith.mulf %get3A_1258, %mul3A_1315 : vector<50x64xf32>
    %reduce_sum3A_1317 = arith.constant dense<0.000000e+00> : vector<50xf32>
    %reduce_sum3A_1318 = vector.multi_reduction <add>, %mul3A_1316, %reduce_sum3A_1317 [1] : vector<50x64xf32> to vector<50xf32>
    %broadcast_in_dim3A_1319 = vector.shape_cast %reduce_sum3A_1318 : vector<50xf32> to vector<50x1xf32>
    %reduce_max3A_1320 = arith.constant dense<0xFF800000> : vector<50xf32>
    %reduce_max3A_1321 = vector.multi_reduction <maximumf>, %dot_general3A_1314, %reduce_max3A_1320 [1] : vector<50x200xf32> to vector<50xf32>
    %broadcast_in_dim3A_1322 = vector.shape_cast %reduce_max3A_1321 : vector<50xf32> to vector<50x1xf32>
    %max3A_1323 = arith.maximumf %broadcast_in_dim3A_1322, %broadcast_in_dim3A_1319 : vector<50x1xf32>
    %sub3A_1324 = vector.broadcast %max3A_1323 : vector<50x1xf32> to vector<50x200xf32>
    %sub3A_1325 = arith.subf %dot_general3A_1314, %sub3A_1324 : vector<50x200xf32>
    %exp3A_1326 = math.exp %sub3A_1325 : vector<50x200xf32>
    %mul3A_1327 = vector.broadcast %div3A_1305 : vector<1x200xf32> to vector<50x200xf32>
    %mul3A_1328 = arith.mulf %exp3A_1326, %mul3A_1327 : vector<50x200xf32>
    %reduce_sum3A_1329 = arith.constant dense<0.000000e+00> : vector<50xf32>
    %reduce_sum3A_1330 = vector.multi_reduction <add>, %mul3A_1328, %reduce_sum3A_1329 [1] : vector<50x200xf32> to vector<50xf32>
    %broadcast_in_dim3A_1331 = vector.shape_cast %reduce_sum3A_1330 : vector<50xf32> to vector<50x1xf32>
    %sub3A_1332 = arith.subf %broadcast_in_dim3A_1319, %max3A_1323 : vector<50x1xf32>
    %exp3A_1333 = math.exp %sub3A_1332 : vector<50x1xf32>
    %mul3A_1334 = vector.broadcast %sub3A_1312 : f32 to vector<50x1xf32>
    %mul3A_1335 = arith.mulf %mul3A_1334, %exp3A_1333 : vector<50x1xf32>
    %add3A_1336 = arith.addf %broadcast_in_dim3A_1331, %mul3A_1335 : vector<50x1xf32>
    %log3A_1337 = math.log %add3A_1336 : vector<50x1xf32>
    %add3A_1338 = arith.addf %max3A_1323, %log3A_1337 : vector<50x1xf32>
    %mul3A_1339 = arith.mulf %dot_general3A_1314, %convert_element_type3A_5 : vector<50x200xf32>
    %dot_general3A_1340 = arith.constant dense<0.000000e+00> : vector<50x4xf32>
    %dot_general3A_1341 = tpu.matmul %mul3A_1339, %convert_element_type3A_12, %dot_general3A_1340 {dimension_numbers = #tpu.dot_dimension_numbers<[1], [0], [0], [1], [0, 0, 1, 1], [], []>, transpose_lhs_hint = false} : vector<50x200xf32>, vector<200x4xf32>, vector<50x4xf32> -> vector<50x4xf32>
    %sub3A_1342 = vector.broadcast %add3A_1338 : vector<50x1xf32> to vector<50x4xf32>
    %sub3A_1343 = arith.subf %dot_general3A_1341, %sub3A_1342 : vector<50x4xf32>
    %swap3A_1344 = arith.constant 13 : index
    %swap3A_1345 = arith.constant 0 : index
    %swap3A_1346 = arith.constant 0 : index
    %swap3A_1347 = vector.load %arg5[%swap3A_1344, %swap3A_1345, %swap3A_1346] : memref<16x50x4xf32, #tpu.memory_space<vmem>>, vector<1x50x4xf32>
    %swap3A_1348 = vector.shape_cast %swap3A_1347 : vector<1x50x4xf32> to vector<50x4xf32>
    %swap3A_1349 = vector.shape_cast %sub3A_1343 : vector<50x4xf32> to vector<1x50x4xf32>
    tpu.vector_store %arg5[%swap3A_1344, %swap3A_1345, %swap3A_1346], %swap3A_1349 {strides = array<i32>} : memref<16x50x4xf32, #tpu.memory_space<vmem>>, vector<1x50x4xf32>,
    %get3A_1350 = arith.constant 14 : index
    %get3A_1351 = arith.constant 0 : index
    %get3A_1352 = arith.constant 0 : index
    %get3A_1353 = vector.load %arg1[%get3A_1350, %get3A_1351, %get3A_1352] : memref<16x50x64xf32, #tpu.memory_space<vmem>>, vector<1x50x64xf32>
    %get3A_1354 = vector.shape_cast %get3A_1353 : vector<1x50x64xf32> to vector<50x64xf32>
    %get3A_1355 = arith.constant 2800 : index
    %get3A_1356 = arith.constant 0 : index
    %get3A_1357 = vector.load %arg2[%get3A_1355, %get3A_1356] : memref<3200x128xf32, #tpu.memory_space<vmem>>, vector<200x64xf32>
    %get3A_1358 = arith.constant 14 : index
    %get3A_1359 = arith.constant 0 : index
    %get3A_1360 = vector.load %arg3[%get3A_1358, %get3A_1359] : memref<16x200xi32, #tpu.memory_space<vmem>>, vector<1x200xi32>
    %and3A_1361 = arith.constant 127 : i32
    %and3A_1362 = vector.broadcast %and3A_1361 : i32 to vector<1x200xi32>
    %and3A_1363 = arith.andi %get3A_1360, %and3A_1362 : vector<1x200xi32>
    %shift_right_arithmetic3A_1364 = arith.constant 7 : i32
    %shift_right_arithmetic3A_1365 = vector.broadcast %shift_right_arithmetic3A_1364 : i32 to vector<1x200xi32>
    %shift_right_arithmetic3A_1366 = arith.shrsi %get3A_1360, %shift_right_arithmetic3A_1365 : vector<1x200xi32>
    %and3A_1367 = arith.constant 127 : i32
    %and3A_1368 = vector.broadcast %and3A_1367 : i32 to vector<1x200xi32>
    %and3A_1369 = arith.andi %shift_right_arithmetic3A_1366, %and3A_1368 : vector<1x200xi32>
    %shift_right_arithmetic3A_1370 = arith.constant 14 : i32
    %shift_right_arithmetic3A_1371 = vector.broadcast %shift_right_arithmetic3A_1370 : i32 to vector<1x200xi32>
    %shift_right_arithmetic3A_1372 = arith.shrsi %get3A_1360, %shift_right_arithmetic3A_1371 : vector<1x200xi32>
    %convert_element_type3A_1373 = arith.sitofp %and3A_1363 : vector<1x200xi32> to vector<1x200xf32>
    %dot_general3A_1374 = arith.constant dense<0.000000e+00> : vector<200x1xf32>
    %dot_general3A_1375 = tpu.matmul %convert_element_type3A_17, %convert_element_type3A_1373, %dot_general3A_1374 {dimension_numbers = #tpu.dot_dimension_numbers<[1], [1], [0], [0], [0, 0, 1, 0], [], []>, transpose_lhs_hint = false} : vector<200x200xf32>, vector<1x200xf32>, vector<200x1xf32> -> vector<200x1xf32>
    %convert_element_type3A_1376 = arith.sitofp %and3A_1369 : vector<1x200xi32> to vector<1x200xf32>
    %dot_general3A_1377 = arith.constant dense<0.000000e+00> : vector<200x1xf32>
    %dot_general3A_1378 = tpu.matmul %convert_element_type3A_17, %convert_element_type3A_1376, %dot_general3A_1377 {dimension_numbers = #tpu.dot_dimension_numbers<[1], [1], [0], [0], [0, 0, 1, 0], [], []>, transpose_lhs_hint = false} : vector<200x200xf32>, vector<1x200xf32>, vector<200x1xf32> -> vector<200x1xf32>
    %convert_element_type3A_1379 = arith.sitofp %shift_right_arithmetic3A_1372 : vector<1x200xi32> to vector<1x200xf32>
    %dot_general3A_1380 = arith.constant dense<0.000000e+00> : vector<200x1xf32>
    %dot_general3A_1381 = tpu.matmul %convert_element_type3A_17, %convert_element_type3A_1379, %dot_general3A_1380 {dimension_numbers = #tpu.dot_dimension_numbers<[1], [1], [0], [0], [0, 0, 1, 0], [], []>, transpose_lhs_hint = false} : vector<200x200xf32>, vector<1x200xf32>, vector<200x1xf32> -> vector<200x1xf32>
    %mul3A_1382 = arith.constant 1.280000e+02 : f32
    %mul3A_1383 = vector.broadcast %mul3A_1382 : f32 to vector<200x1xf32>
    %mul3A_1384 = arith.mulf %mul3A_1383, %dot_general3A_1378 : vector<200x1xf32>
    %add3A_1385 = arith.addf %dot_general3A_1375, %mul3A_1384 : vector<200x1xf32>
    %mul3A_1386 = arith.constant 1.638400e+04 : f32
    %mul3A_1387 = vector.broadcast %mul3A_1386 : f32 to vector<200x1xf32>
    %mul3A_1388 = arith.mulf %mul3A_1387, %dot_general3A_1381 : vector<200x1xf32>
    %add3A_1389 = arith.addf %add3A_1385, %mul3A_1388 : vector<200x1xf32>
    %convert_element_type3A_1390 = arith.sitofp %get3A_1360 : vector<1x200xi32> to vector<1x200xf32>
    %eq3A_1391 = vector.broadcast %add3A_1389 : vector<200x1xf32> to vector<200x200xf32>
    %eq3A_1392 = vector.broadcast %convert_element_type3A_1390 : vector<1x200xf32> to vector<200x200xf32>
    %eq3A_1393 = arith.cmpf oeq, %eq3A_1391, %eq3A_1392 : vector<200x200xf32>
    %convert_element_type3A_1394 = arith.extui %eq3A_1393 : vector<200x200xi1> to vector<200x200xi32>
    %convert_element_type3A_1395 = arith.sitofp %convert_element_type3A_1394 : vector<200x200xi32> to vector<200x200xf32>
    %reduce_sum3A_1396 = arith.constant dense<0.000000e+00> : vector<200xf32>
    %reduce_sum3A_1397 = vector.multi_reduction <add>, %convert_element_type3A_1395, %reduce_sum3A_1396 [0] : vector<200x200xf32> to vector<200xf32>
    %broadcast_in_dim3A_1398 = vector.shape_cast %reduce_sum3A_1397 : vector<200xf32> to vector<1x200xf32>
    %div3A_1399 = arith.constant 1.000000e+00 : f32
    %div3A_1400 = vector.broadcast %div3A_1399 : f32 to vector<1x200xf32>
    %div3A_1401 = arith.divf %div3A_1400, %broadcast_in_dim3A_1398 : vector<1x200xf32>
    %reduce_sum3A_1402 = vector.shape_cast %div3A_1401 : vector<1x200xf32> to vector<1x1x200xf32>
    %reduce_sum3A_1403 = arith.constant dense<0.000000e+00> : vector<1xf32>
    %reduce_sum3A_1404 = vector.multi_reduction <add>, %reduce_sum3A_1402, %reduce_sum3A_1403 [1, 2] : vector<1x1x200xf32> to vector<1xf32>
    %reduce_sum3A_1405 = vector.shape_cast %reduce_sum3A_1404 : vector<1xf32> to vector<1x1x1xf32>
    %reduce_sum3A_1406 = vector.extract %reduce_sum3A_1405[0, 0, 0] : f32 from vector<1x1x1xf32>
    %sub3A_1407 = arith.constant 2.000000e+02 : f32
    %sub3A_1408 = arith.subf %sub3A_1407, %reduce_sum3A_1406 : f32
    %dot_general3A_1409 = arith.constant dense<0.000000e+00> : vector<50x200xf32>
    %dot_general3A_1410 = tpu.matmul %get3A_1354, %get3A_1357, %dot_general3A_1409 {dimension_numbers = #tpu.dot_dimension_numbers<[1], [1], [0], [0], [0, 0, 1, 0], [], []>, transpose_lhs_hint = false} : vector<50x64xf32>, vector<200x64xf32>, vector<50x200xf32> -> vector<50x200xf32>
    %mul3A_1411 = vector.broadcast %get3A_1 : vector<1x64xf32> to vector<50x64xf32>
    %mul3A_1412 = arith.mulf %get3A_1354, %mul3A_1411 : vector<50x64xf32>
    %reduce_sum3A_1413 = arith.constant dense<0.000000e+00> : vector<50xf32>
    %reduce_sum3A_1414 = vector.multi_reduction <add>, %mul3A_1412, %reduce_sum3A_1413 [1] : vector<50x64xf32> to vector<50xf32>
    %broadcast_in_dim3A_1415 = vector.shape_cast %reduce_sum3A_1414 : vector<50xf32> to vector<50x1xf32>
    %reduce_max3A_1416 = arith.constant dense<0xFF800000> : vector<50xf32>
    %reduce_max3A_1417 = vector.multi_reduction <maximumf>, %dot_general3A_1410, %reduce_max3A_1416 [1] : vector<50x200xf32> to vector<50xf32>
    %broadcast_in_dim3A_1418 = vector.shape_cast %reduce_max3A_1417 : vector<50xf32> to vector<50x1xf32>
    %max3A_1419 = arith.maximumf %broadcast_in_dim3A_1418, %broadcast_in_dim3A_1415 : vector<50x1xf32>
    %sub3A_1420 = vector.broadcast %max3A_1419 : vector<50x1xf32> to vector<50x200xf32>
    %sub3A_1421 = arith.subf %dot_general3A_1410, %sub3A_1420 : vector<50x200xf32>
    %exp3A_1422 = math.exp %sub3A_1421 : vector<50x200xf32>
    %mul3A_1423 = vector.broadcast %div3A_1401 : vector<1x200xf32> to vector<50x200xf32>
    %mul3A_1424 = arith.mulf %exp3A_1422, %mul3A_1423 : vector<50x200xf32>
    %reduce_sum3A_1425 = arith.constant dense<0.000000e+00> : vector<50xf32>
    %reduce_sum3A_1426 = vector.multi_reduction <add>, %mul3A_1424, %reduce_sum3A_1425 [1] : vector<50x200xf32> to vector<50xf32>
    %broadcast_in_dim3A_1427 = vector.shape_cast %reduce_sum3A_1426 : vector<50xf32> to vector<50x1xf32>
    %sub3A_1428 = arith.subf %broadcast_in_dim3A_1415, %max3A_1419 : vector<50x1xf32>
    %exp3A_1429 = math.exp %sub3A_1428 : vector<50x1xf32>
    %mul3A_1430 = vector.broadcast %sub3A_1408 : f32 to vector<50x1xf32>
    %mul3A_1431 = arith.mulf %mul3A_1430, %exp3A_1429 : vector<50x1xf32>
    %add3A_1432 = arith.addf %broadcast_in_dim3A_1427, %mul3A_1431 : vector<50x1xf32>
    %log3A_1433 = math.log %add3A_1432 : vector<50x1xf32>
    %add3A_1434 = arith.addf %max3A_1419, %log3A_1433 : vector<50x1xf32>
    %mul3A_1435 = arith.mulf %dot_general3A_1410, %convert_element_type3A_5 : vector<50x200xf32>
    %dot_general3A_1436 = arith.constant dense<0.000000e+00> : vector<50x4xf32>
    %dot_general3A_1437 = tpu.matmul %mul3A_1435, %convert_element_type3A_12, %dot_general3A_1436 {dimension_numbers = #tpu.dot_dimension_numbers<[1], [0], [0], [1], [0, 0, 1, 1], [], []>, transpose_lhs_hint = false} : vector<50x200xf32>, vector<200x4xf32>, vector<50x4xf32> -> vector<50x4xf32>
    %sub3A_1438 = vector.broadcast %add3A_1434 : vector<50x1xf32> to vector<50x4xf32>
    %sub3A_1439 = arith.subf %dot_general3A_1437, %sub3A_1438 : vector<50x4xf32>
    %swap3A_1440 = arith.constant 14 : index
    %swap3A_1441 = arith.constant 0 : index
    %swap3A_1442 = arith.constant 0 : index
    %swap3A_1443 = vector.load %arg5[%swap3A_1440, %swap3A_1441, %swap3A_1442] : memref<16x50x4xf32, #tpu.memory_space<vmem>>, vector<1x50x4xf32>
    %swap3A_1444 = vector.shape_cast %swap3A_1443 : vector<1x50x4xf32> to vector<50x4xf32>
    %swap3A_1445 = vector.shape_cast %sub3A_1439 : vector<50x4xf32> to vector<1x50x4xf32>
    tpu.vector_store %arg5[%swap3A_1440, %swap3A_1441, %swap3A_1442], %swap3A_1445 {strides = array<i32>} : memref<16x50x4xf32, #tpu.memory_space<vmem>>, vector<1x50x4xf32>,
    %get3A_1446 = arith.constant 15 : index
    %get3A_1447 = arith.constant 0 : index
    %get3A_1448 = arith.constant 0 : index
    %get3A_1449 = vector.load %arg1[%get3A_1446, %get3A_1447, %get3A_1448] : memref<16x50x64xf32, #tpu.memory_space<vmem>>, vector<1x50x64xf32>
    %get3A_1450 = vector.shape_cast %get3A_1449 : vector<1x50x64xf32> to vector<50x64xf32>
    %get3A_1451 = arith.constant 3000 : index
    %get3A_1452 = arith.constant 0 : index
    %get3A_1453 = vector.load %arg2[%get3A_1451, %get3A_1452] : memref<3200x128xf32, #tpu.memory_space<vmem>>, vector<200x64xf32>
    %get3A_1454 = arith.constant 15 : index
    %get3A_1455 = arith.constant 0 : index
    %get3A_1456 = vector.load %arg3[%get3A_1454, %get3A_1455] : memref<16x200xi32, #tpu.memory_space<vmem>>, vector<1x200xi32>
    %and3A_1457 = arith.constant 127 : i32
    %and3A_1458 = vector.broadcast %and3A_1457 : i32 to vector<1x200xi32>
    %and3A_1459 = arith.andi %get3A_1456, %and3A_1458 : vector<1x200xi32>
    %shift_right_arithmetic3A_1460 = arith.constant 7 : i32
    %shift_right_arithmetic3A_1461 = vector.broadcast %shift_right_arithmetic3A_1460 : i32 to vector<1x200xi32>
    %shift_right_arithmetic3A_1462 = arith.shrsi %get3A_1456, %shift_right_arithmetic3A_1461 : vector<1x200xi32>
    %and3A_1463 = arith.constant 127 : i32
    %and3A_1464 = vector.broadcast %and3A_1463 : i32 to vector<1x200xi32>
    %and3A_1465 = arith.andi %shift_right_arithmetic3A_1462, %and3A_1464 : vector<1x200xi32>
    %shift_right_arithmetic3A_1466 = arith.constant 14 : i32
    %shift_right_arithmetic3A_1467 = vector.broadcast %shift_right_arithmetic3A_1466 : i32 to vector<1x200xi32>
    %shift_right_arithmetic3A_1468 = arith.shrsi %get3A_1456, %shift_right_arithmetic3A_1467 : vector<1x200xi32>
    %convert_element_type3A_1469 = arith.sitofp %and3A_1459 : vector<1x200xi32> to vector<1x200xf32>
    %dot_general3A_1470 = arith.constant dense<0.000000e+00> : vector<200x1xf32>
    %dot_general3A_1471 = tpu.matmul %convert_element_type3A_17, %convert_element_type3A_1469, %dot_general3A_1470 {dimension_numbers = #tpu.dot_dimension_numbers<[1], [1], [0], [0], [0, 0, 1, 0], [], []>, transpose_lhs_hint = false} : vector<200x200xf32>, vector<1x200xf32>, vector<200x1xf32> -> vector<200x1xf32>
    %convert_element_type3A_1472 = arith.sitofp %and3A_1465 : vector<1x200xi32> to vector<1x200xf32>
    %dot_general3A_1473 = arith.constant dense<0.000000e+00> : vector<200x1xf32>
    %dot_general3A_1474 = tpu.matmul %convert_element_type3A_17, %convert_element_type3A_1472, %dot_general3A_1473 {dimension_numbers = #tpu.dot_dimension_numbers<[1], [1], [0], [0], [0, 0, 1, 0], [], []>, transpose_lhs_hint = false} : vector<200x200xf32>, vector<1x200xf32>, vector<200x1xf32> -> vector<200x1xf32>
    %convert_element_type3A_1475 = arith.sitofp %shift_right_arithmetic3A_1468 : vector<1x200xi32> to vector<1x200xf32>
    %dot_general3A_1476 = arith.constant dense<0.000000e+00> : vector<200x1xf32>
    %dot_general3A_1477 = tpu.matmul %convert_element_type3A_17, %convert_element_type3A_1475, %dot_general3A_1476 {dimension_numbers = #tpu.dot_dimension_numbers<[1], [1], [0], [0], [0, 0, 1, 0], [], []>, transpose_lhs_hint = false} : vector<200x200xf32>, vector<1x200xf32>, vector<200x1xf32> -> vector<200x1xf32>
    %mul3A_1478 = arith.constant 1.280000e+02 : f32
    %mul3A_1479 = vector.broadcast %mul3A_1478 : f32 to vector<200x1xf32>
    %mul3A_1480 = arith.mulf %mul3A_1479, %dot_general3A_1474 : vector<200x1xf32>
    %add3A_1481 = arith.addf %dot_general3A_1471, %mul3A_1480 : vector<200x1xf32>
    %mul3A_1482 = arith.constant 1.638400e+04 : f32
    %mul3A_1483 = vector.broadcast %mul3A_1482 : f32 to vector<200x1xf32>
    %mul3A_1484 = arith.mulf %mul3A_1483, %dot_general3A_1477 : vector<200x1xf32>
    %add3A_1485 = arith.addf %add3A_1481, %mul3A_1484 : vector<200x1xf32>
    %convert_element_type3A_1486 = arith.sitofp %get3A_1456 : vector<1x200xi32> to vector<1x200xf32>
    %eq3A_1487 = vector.broadcast %add3A_1485 : vector<200x1xf32> to vector<200x200xf32>
    %eq3A_1488 = vector.broadcast %convert_element_type3A_1486 : vector<1x200xf32> to vector<200x200xf32>
    %eq3A_1489 = arith.cmpf oeq, %eq3A_1487, %eq3A_1488 : vector<200x200xf32>
    %convert_element_type3A_1490 = arith.extui %eq3A_1489 : vector<200x200xi1> to vector<200x200xi32>
    %convert_element_type3A_1491 = arith.sitofp %convert_element_type3A_1490 : vector<200x200xi32> to vector<200x200xf32>
    %reduce_sum3A_1492 = arith.constant dense<0.000000e+00> : vector<200xf32>
    %reduce_sum3A_1493 = vector.multi_reduction <add>, %convert_element_type3A_1491, %reduce_sum3A_1492 [0] : vector<200x200xf32> to vector<200xf32>
    %broadcast_in_dim3A_1494 = vector.shape_cast %reduce_sum3A_1493 : vector<200xf32> to vector<1x200xf32>
    %div3A_1495 = arith.constant 1.000000e+00 : f32
    %div3A_1496 = vector.broadcast %div3A_1495 : f32 to vector<1x200xf32>
    %div3A_1497 = arith.divf %div3A_1496, %broadcast_in_dim3A_1494 : vector<1x200xf32>
    %reduce_sum3A_1498 = vector.shape_cast %div3A_1497 : vector<1x200xf32> to vector<1x1x200xf32>
    %reduce_sum3A_1499 = arith.constant dense<0.000000e+00> : vector<1xf32>
    %reduce_sum3A_1500 = vector.multi_reduction <add>, %reduce_sum3A_1498, %reduce_sum3A_1499 [1, 2] : vector<1x1x200xf32> to vector<1xf32>
    %reduce_sum3A_1501 = vector.shape_cast %reduce_sum3A_1500 : vector<1xf32> to vector<1x1x1xf32>
    %reduce_sum3A_1502 = vector.extract %reduce_sum3A_1501[0, 0, 0] : f32 from vector<1x1x1xf32>
    %sub3A_1503 = arith.constant 2.000000e+02 : f32
    %sub3A_1504 = arith.subf %sub3A_1503, %reduce_sum3A_1502 : f32
    %dot_general3A_1505 = arith.constant dense<0.000000e+00> : vector<50x200xf32>
    %dot_general3A_1506 = tpu.matmul %get3A_1450, %get3A_1453, %dot_general3A_1505 {dimension_numbers = #tpu.dot_dimension_numbers<[1], [1], [0], [0], [0, 0, 1, 0], [], []>, transpose_lhs_hint = false} : vector<50x64xf32>, vector<200x64xf32>, vector<50x200xf32> -> vector<50x200xf32>
    %mul3A_1507 = vector.broadcast %get3A_1 : vector<1x64xf32> to vector<50x64xf32>
    %mul3A_1508 = arith.mulf %get3A_1450, %mul3A_1507 : vector<50x64xf32>
    %reduce_sum3A_1509 = arith.constant dense<0.000000e+00> : vector<50xf32>
    %reduce_sum3A_1510 = vector.multi_reduction <add>, %mul3A_1508, %reduce_sum3A_1509 [1] : vector<50x64xf32> to vector<50xf32>
    %broadcast_in_dim3A_1511 = vector.shape_cast %reduce_sum3A_1510 : vector<50xf32> to vector<50x1xf32>
    %reduce_max3A_1512 = arith.constant dense<0xFF800000> : vector<50xf32>
    %reduce_max3A_1513 = vector.multi_reduction <maximumf>, %dot_general3A_1506, %reduce_max3A_1512 [1] : vector<50x200xf32> to vector<50xf32>
    %broadcast_in_dim3A_1514 = vector.shape_cast %reduce_max3A_1513 : vector<50xf32> to vector<50x1xf32>
    %max3A_1515 = arith.maximumf %broadcast_in_dim3A_1514, %broadcast_in_dim3A_1511 : vector<50x1xf32>
    %sub3A_1516 = vector.broadcast %max3A_1515 : vector<50x1xf32> to vector<50x200xf32>
    %sub3A_1517 = arith.subf %dot_general3A_1506, %sub3A_1516 : vector<50x200xf32>
    %exp3A_1518 = math.exp %sub3A_1517 : vector<50x200xf32>
    %mul3A_1519 = vector.broadcast %div3A_1497 : vector<1x200xf32> to vector<50x200xf32>
    %mul3A_1520 = arith.mulf %exp3A_1518, %mul3A_1519 : vector<50x200xf32>
    %reduce_sum3A_1521 = arith.constant dense<0.000000e+00> : vector<50xf32>
    %reduce_sum3A_1522 = vector.multi_reduction <add>, %mul3A_1520, %reduce_sum3A_1521 [1] : vector<50x200xf32> to vector<50xf32>
    %broadcast_in_dim3A_1523 = vector.shape_cast %reduce_sum3A_1522 : vector<50xf32> to vector<50x1xf32>
    %sub3A_1524 = arith.subf %broadcast_in_dim3A_1511, %max3A_1515 : vector<50x1xf32>
    %exp3A_1525 = math.exp %sub3A_1524 : vector<50x1xf32>
    %mul3A_1526 = vector.broadcast %sub3A_1504 : f32 to vector<50x1xf32>
    %mul3A_1527 = arith.mulf %mul3A_1526, %exp3A_1525 : vector<50x1xf32>
    %add3A_1528 = arith.addf %broadcast_in_dim3A_1523, %mul3A_1527 : vector<50x1xf32>
    %log3A_1529 = math.log %add3A_1528 : vector<50x1xf32>
    %add3A_1530 = arith.addf %max3A_1515, %log3A_1529 : vector<50x1xf32>
    %mul3A_1531 = arith.mulf %dot_general3A_1506, %convert_element_type3A_5 : vector<50x200xf32>
    %dot_general3A_1532 = arith.constant dense<0.000000e+00> : vector<50x4xf32>
    %dot_general3A_1533 = tpu.matmul %mul3A_1531, %convert_element_type3A_12, %dot_general3A_1532 {dimension_numbers = #tpu.dot_dimension_numbers<[1], [0], [0], [1], [0, 0, 1, 1], [], []>, transpose_lhs_hint = false} : vector<50x200xf32>, vector<200x4xf32>, vector<50x4xf32> -> vector<50x4xf32>
    %sub3A_1534 = vector.broadcast %add3A_1530 : vector<50x1xf32> to vector<50x4xf32>
    %sub3A_1535 = arith.subf %dot_general3A_1533, %sub3A_1534 : vector<50x4xf32>
    %swap3A_1536 = arith.constant 15 : index
    %swap3A_1537 = arith.constant 0 : index
    %swap3A_1538 = arith.constant 0 : index
    %swap3A_1539 = vector.load %arg5[%swap3A_1536, %swap3A_1537, %swap3A_1538] : memref<16x50x4xf32, #tpu.memory_space<vmem>>, vector<1x50x4xf32>
    %swap3A_1540 = vector.shape_cast %swap3A_1539 : vector<1x50x4xf32> to vector<50x4xf32>
    %swap3A_1541 = vector.shape_cast %sub3A_1535 : vector<50x4xf32> to vector<1x50x4xf32>
    tpu.vector_store %arg5[%swap3A_1536, %swap3A_1537, %swap3A_1538], %swap3A_1541 {strides = array<i32>} : memref<16x50x4xf32, #tpu.memory_space<vmem>>, vector<1x50x4xf32>,
    return
  }
  func.func @transform_0(%arg0: i32) -> (i32, i32, i32) {
    %c0_i32 = arith.constant 0 : i32
    %c0_i32_0 = arith.constant 0 : i32
    %c0_i32_1 = arith.constant 0 : i32
    return %arg0, %c0_i32, %c0_i32_0 : i32, i32, i32
  }
  func.func @transform_1(%arg0: i32) -> (i32, i32) {
    %c0_i32 = arith.constant 0 : i32
    %c0_i32_0 = arith.constant 0 : i32
    return %arg0, %c0_i32 : i32, i32
  }
  func.func @transform_2(%arg0: i32) -> (i32, i32) {
    %c0_i32 = arith.constant 0 : i32
    %c0_i32_0 = arith.constant 0 : i32
    return %arg0, %c0_i32 : i32, i32
  }
  func.func @transform_3(%arg0: i32) -> (i32, i32) {
    %c0_i32 = arith.constant 0 : i32
    %c0_i32_0 = arith.constant 0 : i32
    %c0_i32_1 = arith.constant 0 : i32
    return %c0_i32, %c0_i32_0 : i32, i32
  }
  func.func @transform_4(%arg0: i32) -> (i32, i32, i32) {
    %c0_i32 = arith.constant 0 : i32
    %c0_i32_0 = arith.constant 0 : i32
    %c0_i32_1 = arith.constant 0 : i32
    return %arg0, %c0_i32, %c0_i32_0 : i32, i32, i32
  }
}

</mosaic_0001>

<sc_bundles>
// kernel: kernel.4.cloned.1.call-start
scs
__scs_entry_jumppad:
0x0: {  	(pc) =	sbr.rel $0x88, $3  }
0x1: {  	(tag) =	ssettag $0x0;
	lr =	simm.s32 $0x1  }
0x2: {  	[smem:$0x3F9E] =	sst lr;
	_ =	strace $0xD0000000  }
0x3: {  	_ = 	snop  }
0x4: {  	_ = 	snop  }
0x5: {  	_ = 	snop  }
0x6: {  	_ = 	snop  }
0x7: {  	_ = 	snop  }
__scs_overlays_trampoline_lowered:
0x8: {  	[smem:$0x3FAD] =	sst s0  }
0x9: {  	[smem:$0x3FAE] =	sst s1  }
0xa: {  	[smem:$0x3FAF] =	sst s2  }
0xb: {  	[smem:$0x3FB0] =	sst s3  }
0xc: {  	[smem:$0x3FB1] =	sst s4  }
0xd: {  	[smem:$0x3FB2] =	sst s5  }
0xe: {  	[smem:$0x3FB3] =	sst s6  }
0xf: {  	[smem:$0x3FB4] =	sst s7  }
0x10: {  	[smem:$0x3FB5] =	sst s8  }
0x11: {  	[smem:$0x3FB6] =	sst s9;
	s0 =	simm.s32 @!p0 $0x0  }
0x12: {  	s1 =	sld [smem:$0x3F9C];
	s0 =	simm.s32 @p0 $0x1  }
0x13: {  	[smem:$0x3FB7] =	sst s0;
	s0 =	simm.s32 @!p1 $0x0  }
0x14: {  	s2 =	sld [smem:$0x3F9B];
	s0 =	simm.s32 @p1 $0x1  }
0x15: {  	[smem:$0x3FB8] =	sst s0;
	s0 =	simm.s32 @!p2 $0x0  }
0x16: {  	s3 =	sld [smem:$0x3FDB];
	s0 =	simm.s32 @p2 $0x1  }
0x17: {  	s4 =	simm.s32 $0x1BF5;
	[smem:$0x3FBA] =	sst s0  }
0x18: {  	s0 =	sld [smem:$0x3F9D];
	_ =	swait.ge [sflag:s4], $0x0  }
0x19: {  	s7 =	sld [smem:$0x3F9E]  }
0x1a: {  	s8 =	sadd.s32 $0xFFFFE003, lr  }
0x1b: {  	s9 =	sadd.s32 $0xFFFFFEF7, lr;
	s5 =	simm.s32 $0xFFFFFFFF;
	p2 =	slt.u32 s8, $0xFFFFF086  }
0x1c: {  	p1 =	slt.u32 s9, $0xF7A;
	s5 =	simm.s32 @!p2 $0x0  }
0x1d: {  	s5 =	simm.s32 @p1 $0x1;
	p0 =	seq.s32 s7, s2  }
0x1e: {  	s7 =	smul.u32 @!p0 $0xF7A, s2;
	p2 =	seq.s32 @!p0 s5, $0x0  }
0x1f: {  	s9 =	smul.u32 $0xF7A, s1;
	s8 =	simm.s32 @!p0 $0x1BF5;
	p2 =	por !p2, p0  }
0x20: {  	[sflag:s8] =	ssyncset.s32 @!p0 $0xFFFFF086;
	s6 =	sadd.s32 @!p0 s3, s7;
	s7 =	simm.s32 @!p0 $0x108  }
0x21: {  	s3 =	sadd.s32 s3, s9;
	s6 =	sadd.s32 @!p0 $0x88, s6;
	s7 =	simm.s32 @p2 $0x1082  }
0x22: {  	[simem:s7], [sflag:s8] =	dma.local @!p0 [hbm:s6], $0xF7A  }
0x23: {  	s9 =	sor.u32 $0xD0000000, s2;
	s6 =	simm.s32 $0x108;
	_ =	swait.ge @!p0 [sflag:s8], $0x0  }
0x24: {  	s3 =	sadd.s32 $0x88, s3;
	s6 =	simm.s32 @!p1 $0x1082;
	[sflag:s4] =	ssyncset.s32 $0xFFFFF086  }
0x25: {  	[simem:s6], [sflag:s4] =	dma.local [hbm:s3], $0xF7A  }
0x26: {  	[smem:$0x3F9E] =	sst s1;
	(tag) =	ssettag s2;
	_ =	strace s9  }
0x27: {  	s1 =	sld [smem:$0x3FAE]  }
0x28: {  	s2 =	sld [smem:$0x3FAF]  }
0x29: {  	s4 =	sld [smem:$0x3FB1]  }
0x2a: {  	p0 =	seq.s32 s5, $0x0;
	s5 =	sld [smem:$0x3FB2]  }
0x2b: {  	s6 =	sld [smem:$0x3FB3]  }
0x2c: {  	s7 =	sld [smem:$0x3FB4]  }
0x2d: {  	s3 =	simm.s32 $0x108;
	s8 =	sld [smem:$0x3FB5]  }
0x2e: {  	s3 =	simm.s32 @!p0 $0x1082;
	s9 =	sld [smem:$0x3FB6]  }
0x2f: {  	lr =	sadd.s32 s0, s3;
	s0 =	sld [smem:$0x3FAD]  }
0x30: {  	s3 =	sld [smem:$0x3FB0]  }
0x31: {  	[smem:$0x3FB9] =	sst s10  }
0x32: {  	s10 =	sld [smem:$0x3FB7];
	_ =	sdelay $0x3  }
0x33: {  	p0 =	seq.s32 s10, $0x1;
	s10 =	sld [smem:$0x3FB9];
	_ =	sdelay $0x3  }
0x34: {  	[smem:$0x3FB9] =	sst s10  }
0x35: {  	s10 =	sld [smem:$0x3FB8];
	_ =	sdelay $0x3  }
0x36: {  	p1 =	seq.s32 s10, $0x1;
	s10 =	sld [smem:$0x3FB9];
	_ =	sdelay $0x3  }
0x37: {  	[smem:$0x3FB9] =	sst s10  }
0x38: {  	s10 =	sld [smem:$0x3FBA]  }
0x39: {  	_ = 	snop;
	(pc) =	sbr.ind lr, $3  }
0x3a: {  	_ = 	snop  }
0x3b: {  	_ = 	snop  }
0x3c: {  	p2 =	seq.s32 s10, $0x1;
	s10 =	sld [smem:$0x3FB9]  }
0x3d: {  	_ =	shalt  }
0x3e: {  	_ =	shalt  }
0x3f: {  	_ =	shalt  }
0x40: {  	_ =	shalt  }
0x41: {  	_ =	shalt  }
0x42: {  	_ =	shalt  }
0x43: {  	_ =	shalt  }
0x44: {  	_ =	shalt  }
0x45: {  	_ =	shalt  }
0x46: {  	_ =	shalt  }
0x47: {  	_ =	shalt  }
0x48: {  	_ =	shalt  }
0x49: {  	_ =	shalt  }
0x4a: {  	_ =	shalt  }
0x4b: {  	_ =	shalt  }
0x4c: {  	_ =	shalt  }
0x4d: {  	_ =	shalt  }
0x4e: {  	_ =	shalt  }
0x4f: {  	_ =	shalt  }
0x50: {  	_ =	shalt  }
0x51: {  	_ =	shalt  }
0x52: {  	_ =	shalt  }
0x53: {  	_ =	shalt  }
0x54: {  	_ =	shalt  }
0x55: {  	_ =	shalt  }
0x56: {  	_ =	shalt  }
0x57: {  	_ =	shalt  }
0x58: {  	_ =	shalt  }
0x59: {  	_ =	shalt  }
0x5a: {  	_ =	shalt  }
0x5b: {  	_ =	shalt  }
0x5c: {  	_ =	shalt  }
0x5d: {  	_ =	shalt  }
0x5e: {  	_ =	shalt  }
0x5f: {  	_ =	shalt  }
0x60: {  	_ =	shalt  }
0x61: {  	_ =	shalt  }
0x62: {  	_ =	shalt  }
0x63: {  	_ =	shalt  }
0x64: {  	_ =	shalt  }
0x65: {  	_ =	shalt  }
0x66: {  	_ =	shalt  }
0x67: {  	_ =	shalt  }
0x68: {  	_ =	shalt  }
0x69: {  	_ =	shalt  }
0x6a: {  	_ =	shalt  }
0x6b: {  	_ =	shalt  }
0x6c: {  	_ =	shalt  }
0x6d: {  	_ =	shalt  }
0x6e: {  	_ =	shalt  }
0x6f: {  	_ =	shalt  }
0x70: {  	_ =	shalt  }
0x71: {  	_ =	shalt  }
0x72: {  	_ =	shalt  }
0x73: {  	_ =	shalt  }
0x74: {  	_ =	shalt  }
0x75: {  	_ =	shalt  }
0x76: {  	_ =	shalt  }
0x77: {  	_ =	shalt  }
0x78: {  	_ =	shalt  }
0x79: {  	_ =	shalt  }
0x7a: {  	_ =	shalt  }
0x7b: {  	_ =	shalt  }
0x7c: {  	_ =	shalt  }
0x7d: {  	_ =	shalt  }
0x7e: {  	_ =	shalt  }
0x7f: {  	_ =	shalt  }
0x80: {  	_ =	shalt  }
0x81: {  	_ =	shalt  }
0x82: {  	_ =	shalt  }
0x83: {  	_ =	shalt  }
0x84: {  	_ =	shalt  }
0x85: {  	_ =	shalt  }
0x86: {  	_ =	shalt  }
0x87: {  	_ =	shalt  }
.Lfunc_end0:
.L_simem_size_0:
called_computation_lowered:
.L_overlay_start_0:
0x88: {  	s2 =	sld [smem:$0x3FD9]  }
0x89: {  	s3 =	sld [smem:$0x3FFE];
	_ =	sdelay $0x1  }
0x8a: {  	s1 =	srdreg.scid  }
0x8b: {  	s0 =	sand.u32 $0x1, s1  }
0x8c: {  	s17 =	sshll.u32 s0, $0xA;
	s2 =	sadd.s32 s3, s2  }
0x8d: {  	s2 =	sadd.s32 s2, s17  }
0x8e: {  	[smem:$0x3FC5] =	sst s2  }
0x8f: {  	_ = 	snop  }
0x90: {  	s2 =	sld [smem:$0x3FD0];
	(tm) =	ssettm $0x1  }
0x91: {  	s18 =	sld [smem:$0x3FFB];
	_ =	sdelay $0x3  }
0x92: {  	_ =	strace s18  }
0x93: {  	s3 =	sld [smem:$0x3FFC];
	_ =	sdelay $0x3  }
0x94: {  	_ =	strace s3  }
0x95: {  	s3 =	sld [smem:$0x3FFD];
	_ =	sdelay $0x3  }
0x96: {  	_ =	strace s3  }
0x97: {  	_ =	strace $0x8FFFFFFF  }
0x98: {  	s19 =	sld [smem:$0x3FDB];
	_ =	sdelay $0x1  }
0x99: {  	s4 =	simm.s32 $_scs_section_size  }
0x9a: {  	s5 =	simm.s32 $_size__tile_overlayer_lowered;
	s6 =	simm.s32 $_tile_overlayer_lowered  }
0x9b: {  	s22 =	simm.s32 $0x1BFF;
	s21 =	sshll.u32 s6, $0x1;
	s3 =	sadd.s32 s4, s19  }
0x9c: {  	s7 =	simm.s32 $0x0;
	s20 =	sshll.u32 s5, $0x1;
	s5 =	sadd.s32 s21, s3  }
0x9d: {  	[timem:s7], [sflag:s22] =	dma.local [hbm:s5], s20  }
0x9e: {  	_ =	swait.ge [sflag:s22], s20  }
0x9f: {  	s4 =	ssub.s32 $0x0, s20;
	[sflag:s22] =	ssyncset.done $0x0  }
0xa0: {  	[sflag:s22] =	ssyncadd.s32 s4;
	_ =	sdelay $0x1  }
0xa1: {  	s23 =	simm.s32 $0x1B8B  }
0xa2: {  	_ =	swait.ge [sflag:s23], $0x1  }
0xa3: {  	[sflag:s23] =	ssyncset.done $0x0  }
0xa4: {  	s25 =	simm.s32 $0x1B8E;
	s24 =	sld [smem:$0x3FFE];
	[sflag:s23] =	ssyncadd.s32 $0xFFFFFFFF  }
0xa5: {  	s26 =	simm.s32 $execute0_lowered;
	[smem:$0x3FD2] =	sst s25  }
0xa6: {  	s5 =	sshll.u32 s26, $0x1;
	_ =	strace $0x80000046;
	[dreg:$0x1] =	wrdreg $0xFFFFFFFF  }
0xa7: {  	s28 =	simm.s32 $_size_execute0_lowered;
	s3 =	sadd.s32 s3, s5;
	[dreg:$0x0] =	wrdreg $0x0  }
0xa8: {  	s5 =	sshll.u32 s28, $0x1;
	[dreg:$0x2] =	wrdreg s3  }
0xa9: {  	[dreg:$0x3] =	wrdreg s5  }
0xaa: {  	[dreg:$0x4] =	wrdreg $0xC0  }
0xab: {  	_ =	task [dreg:s7], $0x5FFFF  }
0xac: {  	[dreg:$0x1] =	wrdreg $0xFFFFFFFF  }
0xad: {  	[dreg:$0x0] =	wrdreg $0x60  }
0xae: {  	[dreg:$0x2] =	wrdreg s2  }
0xaf: {  	[dreg:$0x3] =	wrdreg s24  }
0xb0: {  	[dreg:$0x4] =	wrdreg $0x9  }
0xb1: {  	_ =	task.clear_ibuf [dreg:s7], $0x5FFFF;
	_ =	strace $0x90000046  }
0xb2: {  	s29 =	simm.s32 $0x9;
	_ =	strace $0x80000048  }
0xb3: {  	_ =	swait.ge [sflag:s29], $0x1  }
0xb4: {  	[sflag:s29] =	ssyncadd.s32 $0xFFFFFFFF  }
0xb5: {  	_ =	strace $0x90000048  }
0xb6: {  	_ =	sfence  }
0xb7: {  	s30 =	sld [smem:$0x0];
	_ =	sdelay $0x2  }
0xb8: {  	s31 =	sshll.u32 s1, $0xD;
	s1 =	sshrl.u32 s1, $0x2  }
0xb9: {  	s3 =	sand.u32 $0x4000, s31;
	s1 =	sadd.s32 s1, s30  }
0xba: {  	s0 =	sor.u32 s3, s0;
	s1 =	sshll.u32 s1, $0x11  }
0xbb: {  	s0 =	sor.u32 s1, s0  }
0xbc: {  	s0 =	sadd.s32 $0x8F2B, s0  }
0xbd: {  	[sflag:s0] =	ssyncadd.remote.s32 $0x1  }
0xbe: {  	_ =	sfence.sel $0xFFFF  }
0xbf: {  	[dreg:$0x0] =	wrdreg $0xFFFFFFFF;
	(pc) =	sbr.abs _section_cstart, $3  }
0xc0: {  	[dreg:$0x1] =	wrdreg $0xFFFFFFFF  }
0xc1: {  	_ =	task.clear_ibuf [dreg:s7], $0x2FFFF;
	_ =	strace $0x9FFFFFFF  }
0xc2: {  	(tm) =	ssettm $0x7FFFFFFF  }
0xc3: {  	_ =	shalt  }
tec
execute0_lowered:
.L_overlay_start_1:
0x0: {  	(tag) =	ssettag $0x1  }
0x1: {  	s0 =	rddreg [dreg:$0x0]  }
0x2: {  	s4 =	rddreg [dreg:$0x1]  }
0x3: {  	s3 =	srdreg.scid;
	s1 =	stileid.u32  }
0x4: {  	s2 =	simm.s32 $0x0;
	s17 =	simm.s32 $0x48;
	s18 =	simm.s32 $0x3900  }
0x5: {  	s19 =	simm.s32 $0x4B00;
	s20 =	simm.s32 $0x6B00;
	s21 =	simm.s32 $0x1  }
0x6: {  	s29 =	simm.s32 $0x0;
	s11 =	sand.u32 $0x1, s3;
	s12 =	smul.u32 $0x190000, s1  }
0x7: {  	s22 =	sshll.u32 s1, $0x1;
	[smem:$0x7FF] =	sst s2;
	s16 =	smul.u32 $0x32000, s1  }
0x8: {  	s3 =	sadd.s32 $0xF4B400, s4;
	s13 =	sadd.s32 $0x9200, s4;
	s15 =	smul.u32 $0xC8000, s11  }
0x9: {  	s4 =	sadd.s32 $0x9000, s4;
	s14 =	sor.u32 s11, s22;
	s24 =	smul.u32 $0x19000, s11  }
0xa: {  	_ =	strace $0x80000047;
	s5 =	ssub.s32 $0x2, s11;
	s6 =	smul.u32 $0x320, s14  }
0xb: {  	s22 =	simm.s32 $0x40;
	s7 =	sshrl.u32 s5, $0x1;
	s8 =	smul.u32 $0x19000, s14  }
0xc: {  	s26 =	sadd.s32 s16, s13;
	p0 =	sne.s32 s14, $0x0;
	s14 =	simm.s32 $0x5  }
0xd: {  	s16 =	simm.s32 $0x1900;
	s7 =	ssub.s32 s5, s7;
	s25 =	sadd.s32 s15, s12  }
0xe: {  	s11 =	sadd.s32 s24, s26;
	s24 =	simm.s32 $0x3;
	s5 =	sadd.s32 s0, s6  }
0xf: {  	s23 =	sadd.s32 s13, s8;
	s6 =	smax.u32 s7, $0x1;
	s15 =	sor.u32 $0x4000, s25  }
0x10: {  	s28 =	sadd.s32 $0xA400, s25;
	s25 =	simm.s32 $0x4;
	s7 =	sadd.s32 $0x17700, s23  }
0x11: {  	s8 =	sadd.s32 $0x17F00, s23;
	s9 =	sadd.s32 $0x18380, s23;
	s10 =	sadd.s32 $0x18B80, s23  }
0x12: {  	s30 =	sshrl.u32 s15, $0x3;
	s31 =	sshrl.u32 s28, $0x3;
	s15 =	simm.s32 $0x80  }
0x13: {  	s23 =	simm.s32 $0x2;
	s12 =	sadd.s32 s30, s13;
	s13 =	sadd.s32 s31, s13  }
.LBB2_1:
0x14: {  	[tilespmem:s2], [sflag:$0x5] =	stream.linear.gather [hbm4b:s5+s2], $0x1900, $0x38;
	[tilespmem:$0x8110] =	vst v63  }
0x15: {  	_ =	swait.ge [sflag:s14], $0x1900  }
0x16: {  	[sflag:s14] =	ssyncset.done $0x0  }
0x17: {  	v0 =	vimm.s32 @!p0 $0x0;
	[sflag:s14] =	ssyncadd.s32 $0xFFFFE700  }
0x18: {  	s0 =	simm.s32 @!p0 $0x10;
	s30 =	simm.s32 @!p0 $0x7D00;
	s31 =	simm.s32 @!p0 $0x7D10;
	[tilespmem:$0x7D00] =	vst @!p0 v0  }
0x19: {  	[tilespmem:s31], [sflag:$0x1] =	stream.indirect.gather @!p0 [hbm4b:s3+s0], $0x40, s30, s0, $0xb8;
	[tilespmem:$0x8110] =	vst v63  }
0x1a: {  	s0 =	simm.s32 @!p0 $0x1  }
0x1b: {  	_ =	swait.ge @!p0 [sflag:s0], $0x400  }
0x1c: {  	[sflag:s0] =	ssyncset.done @!p0 $0x0  }
0x1d: {  	s30 =	simm.s32 @!p0 $0x80;
	[sflag:s0] =	ssyncadd.s32 @!p0 $0xFFFFFC00;
	s0 =	simm.s32 @!p0 $0x40  }
0x1e: {  	[hbm4b:s4+s0] =	stream.strided.scatter @!p0 [tilespmem:s31], [sflag:$0x5], $0x400, s30, s0, $0x38;
	[tilespmem:$0x8110] =	vst v63  }
0x1f: {  	s0 =	simm.s32 @!p0 $0x5  }
0x20: {  	_ =	swait.ge @!p0 [sflag:s0], $0x400  }
0x21: {  	[sflag:s0] =	ssyncset.done @!p0 $0x0  }
0x22: {  	[sflag:s0] =	ssyncadd.s32 @!p0 $0xFFFFFC00  }
0x23: {  	[tilespmem:s16], [sflag:$0x1] =	stream.indirect.gather [hbm4b:s3+s15], $0x40, s2, s15, $0xb8;
	[tilespmem:$0x8110] =	vst v63  }
0x24: {  	_ = 	snop  }
0x25: {  	[tilespmem:s18], [sflag:$0x2] =	stream.indirect.gather [hbm4b:s3+s17], $0x40, s15, s17, $0xb8;
	[tilespmem:$0x8110] =	vst v63  }
0x26: {  	s28 =	simm.s32 $0xC8  }
0x27: {  	[tilespmem:s19], [sflag:$0x3] =	stream.indirect.gather [hbm4b:s3+s15], $0x40, s28, s15, $0xb8;
	[tilespmem:$0x8110] =	vst v63  }
0x28: {  	s1 =	simm.s32 $0x148  }
0x29: {  	[tilespmem:s20], [sflag:$0x4] =	stream.indirect.gather [hbm4b:s3+s17], $0x40, s1, s17, $0xb8;
	[tilespmem:$0x8110] =	vst v63  }
0x2a: {  	_ =	swait.ge [sflag:s21], $0x2000  }
0x2b: {  	[sflag:s21] =	ssyncset.done $0x0  }
0x2c: {  	s26 =	sadd.s32 $0x0, s11;
	[sflag:s21] =	ssyncadd.s32 $0xFFFFE000  }
0x2d: {  	[hbm4b:s26+s22] =	stream.strided.scatter [tilespmem:s16], [sflag:$0x5], $0x2000, s15, s22, $0x38;
	[tilespmem:$0x8110] =	vst v63  }
0x2e: {  	_ =	swait.ge [sflag:s14], $0x2000  }
0x2f: {  	[sflag:s14] =	ssyncset.done $0x0  }
0x30: {  	[sflag:s14] =	ssyncadd.s32 $0xFFFFE000  }
0x31: {  	_ =	swait.ge [sflag:s23], $0x1200  }
0x32: {  	[sflag:s23] =	ssyncset.done $0x0  }
0x33: {  	s30 =	sadd.s32 $0x0, s12;
	[sflag:s23] =	ssyncadd.s32 $0xFFFFEE00  }
0x34: {  	[hbm4b:s30+s22] =	stream.strided.scatter [tilespmem:s18], [sflag:$0x5], $0x1200, s15, s22, $0x38;
	[tilespmem:$0x8110] =	vst v63  }
0x35: {  	_ =	swait.ge [sflag:s14], $0x1200  }
0x36: {  	[sflag:s14] =	ssyncset.done $0x0  }
0x37: {  	s30 =	simm.s32 $0x190;
	[sflag:s14] =	ssyncadd.s32 $0xFFFFEE00  }
0x38: {  	[tilespmem:s16], [sflag:$0x1] =	stream.indirect.gather [hbm4b:s3+s15], $0x40, s30, s15, $0xb8;
	[tilespmem:$0x8110] =	vst v63  }
0x39: {  	s30 =	simm.s32 $0x210  }
0x3a: {  	[tilespmem:s18], [sflag:$0x2] =	stream.indirect.gather [hbm4b:s3+s17], $0x40, s30, s17, $0xb8;
	[tilespmem:$0x8110] =	vst v63  }
0x3b: {  	_ =	swait.ge [sflag:s24], $0x2000  }
0x3c: {  	[sflag:s24] =	ssyncset.done $0x0  }
0x3d: {  	s0 =	sadd.s32 $0xC80, s26;
	[sflag:s24] =	ssyncadd.s32 $0xFFFFE000  }
0x3e: {  	[hbm4b:s0+s22] =	stream.strided.scatter [tilespmem:s19], [sflag:$0x5], $0x2000, s15, s22, $0x38;
	[tilespmem:$0x8110] =	vst v63  }
0x3f: {  	_ =	swait.ge [sflag:s14], $0x2000  }
0x40: {  	[sflag:s14] =	ssyncset.done $0x0  }
0x41: {  	[sflag:s14] =	ssyncadd.s32 $0xFFFFE000  }
0x42: {  	_ =	swait.ge [sflag:s25], $0x1200  }
0x43: {  	[sflag:s25] =	ssyncset.done $0x0  }
0x44: {  	s28 =	sadd.s32 $0x0, s13;
	[sflag:s25] =	ssyncadd.s32 $0xFFFFEE00  }
0x45: {  	[hbm4b:s28+s22] =	stream.strided.scatter [tilespmem:s20], [sflag:$0x5], $0x1200, s15, s22, $0x38;
	[tilespmem:$0x8110] =	vst v63  }
0x46: {  	s31 =	simm.s32 $0x3A0;
	_ =	swait.ge [sflag:s14], $0x1200  }
0x47: {  	s30 =	simm.s32 $0x1900;
	s0 =	simm.s32 $0x3200;
	[sflag:s14] =	ssyncset.done $0x0  }
.LBB2_2:
0x48: {  	p1 =	sne.s32 s0, $0x15E00;
	s1 =	sadd.s32 $0xFFFFFEB8, s31;
	[sflag:s14] =	ssyncadd.s32 $0xFFFFEE00  }
0x49: {  	[tilespmem:s19], [sflag:$0x3] =	stream.indirect.gather [hbm4b:s3+s15], $0x40, s1, s15, $0xb8;
	[tilespmem:$0x8110] =	vst v63  }
0x4a: {  	s26 =	smov.u32 s0;
	s0 =	sadd.s32 $0x1900, s0;
	s1 =	sadd.s32 $0xFFFFFF38, s31  }
0x4b: {  	[tilespmem:s20], [sflag:$0x4] =	stream.indirect.gather [hbm4b:s3+s17], $0x40, s1, s17, $0xb8;
	[tilespmem:$0x8110] =	vst v63  }
0x4c: {  	_ =	swait.ge [sflag:s21], $0x2000  }
0x4d: {  	[sflag:s21] =	ssyncset.done $0x0  }
0x4e: {  	s1 =	sadd.s32 s30, s11;
	[sflag:s21] =	ssyncadd.s32 $0xFFFFE000  }
0x4f: {  	[hbm4b:s1+s22] =	stream.strided.scatter [tilespmem:s16], [sflag:$0x5], $0x2000, s15, s22, $0x38;
	[tilespmem:$0x8110] =	vst v63  }
0x50: {  	_ =	swait.ge [sflag:s14], $0x2000  }
0x51: {  	[sflag:s14] =	ssyncset.done $0x0  }
0x52: {  	[sflag:s14] =	ssyncadd.s32 $0xFFFFE000  }
0x53: {  	_ =	swait.ge [sflag:s23], $0x1200  }
0x54: {  	[sflag:s23] =	ssyncset.done $0x0  }
0x55: {  	s28 =	sadd.s32 s30, s12;
	[sflag:s23] =	ssyncadd.s32 $0xFFFFEE00  }
0x56: {  	[hbm4b:s28+s22] =	stream.strided.scatter [tilespmem:s18], [sflag:$0x5], $0x1200, s15, s22, $0x38;
	[tilespmem:$0x8110] =	vst v63  }
0x57: {  	_ =	swait.ge [sflag:s14], $0x1200  }
0x58: {  	[sflag:s14] =	ssyncset.done $0x0  }
0x59: {  	s28 =	sadd.s32 $0xFFFFFF80, s31;
	[sflag:s14] =	ssyncadd.s32 $0xFFFFEE00  }
0x5a: {  	[tilespmem:s16], [sflag:$0x1] =	stream.indirect.gather [hbm4b:s3+s15], $0x40, s28, s15, $0xb8;
	[tilespmem:$0x8110] =	vst v63  }
0x5b: {  	_ = 	snop  }
0x5c: {  	[tilespmem:s18], [sflag:$0x2] =	stream.indirect.gather [hbm4b:s3+s17], $0x40, s31, s17, $0xb8;
	[tilespmem:$0x8110] =	vst v63  }
0x5d: {  	_ =	swait.ge [sflag:s24], $0x2000  }
0x5e: {  	[sflag:s24] =	ssyncset.done $0x0  }
0x5f: {  	s1 =	sadd.s32 $0xC80, s1;
	[sflag:s24] =	ssyncadd.s32 $0xFFFFE000  }
0x60: {  	[hbm4b:s1+s22] =	stream.strided.scatter [tilespmem:s19], [sflag:$0x5], $0x2000, s15, s22, $0x38;
	[tilespmem:$0x8110] =	vst v63  }
0x61: {  	_ =	swait.ge [sflag:s14], $0x2000  }
0x62: {  	[sflag:s14] =	ssyncset.done $0x0  }
0x63: {  	[sflag:s14] =	ssyncadd.s32 $0xFFFFE000  }
0x64: {  	_ =	swait.ge [sflag:s25], $0x1200  }
.Ltmp0:
0x65: {  	[sflag:s25] =	ssyncset.done $0x0;
	(pc) =	sbr.rel @p1 .LBB2_2-.Ltmp0, $4  }
0x66: {  	s1 =	sadd.s32 s30, s13;
	s30 =	smov.u32 s26;
	[sflag:s25] =	ssyncadd.s32 $0xFFFFEE00  }
0x67: {  	[hbm4b:s1+s22] =	stream.strided.scatter [tilespmem:s20], [sflag:$0x5], $0x1200, s15, s22, $0x38;
	[tilespmem:$0x8110] =	vst v63  }
0x68: {  	_ =	swait.ge [sflag:s14], $0x1200  }
0x69: {  	s31 =	sadd.s32 $0x190, s31;
	[sflag:s14] =	ssyncset.done $0x0  }
0x6a: {  	s0 =	sadd.s32 $0xFFFFFEB8, s31;
	[sflag:s14] =	ssyncadd.s32 $0xFFFFEE00  }
0x6b: {  	[tilespmem:s19], [sflag:$0x3] =	stream.indirect.gather [hbm4b:s3+s15], $0x40, s0, s15, $0xb8;
	[tilespmem:$0x8110] =	vst v63  }
0x6c: {  	s26 =	sadd.s32 $0xFFFFFF38, s31  }
0x6d: {  	[tilespmem:s20], [sflag:$0x4] =	stream.indirect.gather [hbm4b:s3+s17], $0x40, s26, s17, $0xb8;
	[tilespmem:$0x8110] =	vst v63  }
0x6e: {  	_ =	swait.ge [sflag:s21], $0x2000  }
0x6f: {  	[sflag:s21] =	ssyncset.done $0x0  }
0x70: {  	s28 =	sadd.s32 s30, s11;
	[sflag:s21] =	ssyncadd.s32 $0xFFFFE000  }
0x71: {  	[hbm4b:s28+s22] =	stream.strided.scatter [tilespmem:s16], [sflag:$0x5], $0x2000, s15, s22, $0x38;
	[tilespmem:$0x8110] =	vst v63  }
0x72: {  	_ =	swait.ge [sflag:s14], $0x2000  }
0x73: {  	[sflag:s14] =	ssyncset.done $0x0  }
0x74: {  	[sflag:s14] =	ssyncadd.s32 $0xFFFFE000  }
0x75: {  	_ =	swait.ge [sflag:s23], $0x1200  }
0x76: {  	[sflag:s23] =	ssyncset.done $0x0  }
0x77: {  	s1 =	sadd.s32 s30, s12;
	[sflag:s23] =	ssyncadd.s32 $0xFFFFEE00  }
0x78: {  	[hbm4b:s1+s22] =	stream.strided.scatter [tilespmem:s18], [sflag:$0x5], $0x1200, s15, s22, $0x38;
	[tilespmem:$0x8110] =	vst v63  }
0x79: {  	_ =	swait.ge [sflag:s14], $0x1200  }
0x7a: {  	[sflag:s14] =	ssyncset.done $0x0  }
0x7b: {  	s26 =	sadd.s32 $0xFFFFFF80, s31;
	[sflag:s14] =	ssyncadd.s32 $0xFFFFEE00  }
0x7c: {  	[tilespmem:s16], [sflag:$0x1] =	stream.indirect.gather [hbm4b:s3+s15], $0x40, s26, s15, $0xb8;
	[tilespmem:$0x8110] =	vst v63  }
0x7d: {  	_ = 	snop  }
0x7e: {  	[tilespmem:s18], [sflag:$0x2] =	stream.indirect.gather [hbm4b:s3+s17], $0x40, s31, s17, $0xb8;
	[tilespmem:$0x8110] =	vst v63  }
0x7f: {  	_ =	swait.ge [sflag:s24], $0x2000  }
0x80: {  	[sflag:s24] =	ssyncset.done $0x0  }
0x81: {  	s0 =	sadd.s32 $0xC80, s28;
	[sflag:s24] =	ssyncadd.s32 $0xFFFFE000  }
0x82: {  	[hbm4b:s0+s22] =	stream.strided.scatter [tilespmem:s19], [sflag:$0x5], $0x2000, s15, s22, $0x38;
	[tilespmem:$0x8110] =	vst v63  }
0x83: {  	_ =	swait.ge [sflag:s14], $0x2000  }
0x84: {  	[sflag:s14] =	ssyncset.done $0x0  }
0x85: {  	[sflag:s14] =	ssyncadd.s32 $0xFFFFE000  }
0x86: {  	_ =	swait.ge [sflag:s25], $0x1200  }
0x87: {  	[sflag:s25] =	ssyncset.done $0x0  }
0x88: {  	s28 =	sadd.s32 s30, s13;
	[sflag:s25] =	ssyncadd.s32 $0xFFFFEE00  }
0x89: {  	[hbm4b:s28+s22] =	stream.strided.scatter [tilespmem:s20], [sflag:$0x5], $0x1200, s15, s22, $0x38;
	[tilespmem:$0x8110] =	vst v63  }
0x8a: {  	_ =	swait.ge [sflag:s14], $0x1200  }
0x8b: {  	[sflag:s14] =	ssyncset.done $0x0  }
0x8c: {  	s30 =	simm.s32 $0x1838;
	[sflag:s14] =	ssyncadd.s32 $0xFFFFEE00  }
0x8d: {  	[tilespmem:s19], [sflag:$0x3] =	stream.indirect.gather [hbm4b:s3+s15], $0x40, s30, s15, $0xb8;
	[tilespmem:$0x8110] =	vst v63  }
0x8e: {  	s31 =	simm.s32 $0x18B8  }
0x8f: {  	[tilespmem:s20], [sflag:$0x4] =	stream.indirect.gather [hbm4b:s3+s17], $0x40, s31, s17, $0xb8;
	[tilespmem:$0x8110] =	vst v63  }
0x90: {  	_ =	swait.ge [sflag:s21], $0x2000  }
0x91: {  	[sflag:s21] =	ssyncset.done $0x0  }
0x92: {  	[sflag:s21] =	ssyncadd.s32 $0xFFFFE000  }
0x93: {  	[hbm4b:s7+s22] =	stream.strided.scatter [tilespmem:s16], [sflag:$0x5], $0x2000, s15, s22, $0x38;
	[tilespmem:$0x8110] =	vst v63  }
0x94: {  	_ =	swait.ge [sflag:s14], $0x2000  }
0x95: {  	[sflag:s14] =	ssyncset.done $0x0  }
0x96: {  	[sflag:s14] =	ssyncadd.s32 $0xFFFFE000  }
0x97: {  	_ =	swait.ge [sflag:s23], $0x1200  }
0x98: {  	[sflag:s23] =	ssyncset.done $0x0  }
0x99: {  	[sflag:s23] =	ssyncadd.s32 $0xFFFFEE00  }
0x9a: {  	[hbm4b:s8+s22] =	stream.strided.scatter [tilespmem:s18], [sflag:$0x5], $0x1200, s15, s22, $0x38;
	[tilespmem:$0x8110] =	vst v63  }
0x9b: {  	_ =	swait.ge [sflag:s14], $0x1200  }
0x9c: {  	[sflag:s14] =	ssyncset.done $0x0  }
0x9d: {  	[sflag:s14] =	ssyncadd.s32 $0xFFFFEE00  }
0x9e: {  	_ =	swait.ge [sflag:s24], $0x2000  }
0x9f: {  	[sflag:s24] =	ssyncset.done $0x0  }
0xa0: {  	[sflag:s24] =	ssyncadd.s32 $0xFFFFE000  }
0xa1: {  	[hbm4b:s9+s22] =	stream.strided.scatter [tilespmem:s19], [sflag:$0x5], $0x2000, s15, s22, $0x38;
	[tilespmem:$0x8110] =	vst v63  }
0xa2: {  	_ =	swait.ge [sflag:s14], $0x2000  }
0xa3: {  	[sflag:s14] =	ssyncset.done $0x0  }
0xa4: {  	[sflag:s14] =	ssyncadd.s32 $0xFFFFE000  }
0xa5: {  	s29 =	sadd.s32 $0x1, s29;
	_ =	swait.ge [sflag:s25], $0x1200  }
0xa6: {  	p1 =	sne.s32 s29, s6;
	[sflag:s25] =	ssyncset.done $0x0  }
.Ltmp1:
0xa7: {  	[sflag:s25] =	ssyncadd.s32 $0xFFFFEE00;
	(pc) =	sbr.rel @p1 .LBB2_1-.Ltmp1, $4  }
0xa8: {  	[hbm4b:s10+s22] =	stream.strided.scatter [tilespmem:s20], [sflag:$0x5], $0x1200, s15, s22, $0x38;
	[tilespmem:$0x8110] =	vst v63  }
0xa9: {  	_ =	swait.ge [sflag:s14], $0x1200  }
0xaa: {  	[sflag:s14] =	ssyncset.done $0x0  }
0xab: {  	[sflag:s14] =	ssyncadd.s32 $0xFFFFEE00  }
0xac: {  	_ =	sfence.sel $0x180000  }
0xad: {  	[bflag:$0x0] =	sbarrier.arrive $0xFFFF  }
0xae: {  	_ =	strace $0x90000047  }
0xaf: {  	s0 =	stileid.u32;
	[bflag:$0x2] =	sbarrier.arrive $0xFFFF  }
0xb0: {  	p0 =	sne.s32 s0, $0x0;
	s0 =	rddreg [dreg:$0x2]  }
0xb1: {  	s0 =	sadd.s32 @!p0 $0x100000, s0  }
0xb2: {  	[sflag:s0] =	ssyncadd.tile.s32 @!p0 $0x1;
	_ =	shalt  }
.Lfunc_end2:
_tile_overlayer_lowered:
.L_overlay_start_2:
0xb3: {  	(tag) =	ssettag $0x2  }
0xb4: {  	s0 =	rddreg [dreg:$0x0];
	s2 =	stileid.u32  }
0xb5: {  	s1 =	rddreg [dreg:$0x1];
	p0 =	sne.s32 s2, $0x0  }
0xb6: {  	s3 =	rddreg [dreg:$0x2];
	[bflag:$0x3] =	sbarrier.arrive $0xFFFF;
	s2 =	simm.s32 @!p0 $0x1C05  }
0xb7: {  	[timem:s3], [sflag:s2] =	dma.local @!p0 [hbm:s0], s1  }
0xb8: {  	s0 =	simm.s32 @!p0 $0x5  }
0xb9: {  	_ =	swait.ge @!p0 [sflag:s0], s1  }
0xba: {  	s1 =	ssub.s32 @!p0 $0x0, s1;
	[sflag:s0] =	ssyncset.done @!p0 $0x0  }
0xbb: {  	[sflag:s0] =	ssyncadd.s32 @!p0 s1  }
0xbc: {  	[bflag:$0x3] =	sbarrier.arrive $0xFFFF  }
0xbd: {  	_ =	shalt  }

</sc_bundles>
